<compile_context>
chip_gen: v7x
topology: tpu7x:2x2x1
jax: 0.10.2.dev20260603
libtpu: 0.0.44.dev20260713+nightly
codegen_flags: <defaults>
</compile_context>

<pallas_src>
import jax
import jax.numpy as jnp
from jax import lax
from jax.experimental import pallas as pl
from jax.experimental.pallas import tpu as pltpu
from jax.experimental.pallas import tpu_sc as plsc

_B = 4096
_T = 200
_D = 64
_NC = 2
_NS = 16
_NW = _NC * _NS
_SPW = _B // _NW
_HALF = _T // 2
_NBUF = 4
_PF = 2
_CHUNKS = ((0, 56), (56, 48), (104, 48), (152, 48))


def _emb_body(idx_hbm, tok_hbm, pos_hbm, out_hbm, idx_v, rows_v, pos_v,
              sem_g, sem_o):
    wid = lax.axis_index("s") * _NC + lax.axis_index("c")
    base = wid * _SPW

    pltpu.sync_copy(idx_hbm.at[pl.ds(base, _SPW)], idx_v)
    pltpu.sync_copy(pos_hbm, pos_v)

    def fire_gather(l, b):
        for off, sz in _CHUNKS:
            pltpu.async_copy(tok_hbm.at[idx_v.at[l, pl.ds(off, sz)]],
                             rows_v.at[pl.ds(b * _T + off, sz)], sem_g.at[b])

    def wait_gather(b):
        for off, sz in _CHUNKS:
            pltpu.make_async_copy(tok_hbm.at[idx_v.at[0, pl.ds(off, sz)]],
                                  rows_v.at[pl.ds(b * _T + off, sz)],
                                  sem_g.at[b]).wait()

    def wait_out(b):
        pltpu.make_async_copy(rows_v.at[pl.ds(b * _T, _T)],
                              out_hbm.at[pl.ds(0, _T)], sem_o.at[b]).wait()

    for l in range(_PF):
        fire_gather(l, l)

    def outer(go, _):
        for b in range(_NBUF):
            l = go * _NBUF + b
            wait_gather(b)

            def add_rows(r2, _):
                for dr in range(2):
                    r = r2 * 2 + dr
                    for c in range(_D // 16):
                        plsc.addupdate(
                            rows_v.at[b * _T + r, pl.ds(c * 16, 16)],
                            pos_v[r, pl.ds(c * 16, 16)])
                return 0

            lax.fori_loop(0, _T // 2, add_rows, 0)

            pltpu.async_copy(rows_v.at[pl.ds(b * _T, _T)],
                             out_hbm.at[pl.ds((base + l) * _T, _T)], sem_o.at[b])

            bp = (b + _PF) % _NBUF
            lp = l + _PF
            pl.when(lp >= _NBUF)(lambda: wait_out(bp))
            pl.when(lp < _SPW)(lambda: fire_gather(lp, bp))
        return 0

    lax.fori_loop(0, _SPW // _NBUF, outer, 0)

    wait_out(_PF)
    wait_out(_PF + 1)


@jax.jit
def _emb(idx2, tok_table, pos_table):
    mesh = plsc.VectorSubcoreMesh(core_axis_name="c", subcore_axis_name="s")
    return pl.kernel(
        _emb_body,
        out_type=jax.ShapeDtypeStruct((_B * _T, _D), jnp.float32),
        mesh=mesh,
        scratch_types=[
            pltpu.VMEM((_SPW, _T), jnp.int32),
            pltpu.VMEM((_NBUF * _T, _D), jnp.float32),
            pltpu.VMEM((_T, _D), jnp.float32),
            pltpu.SemaphoreType.DMA((_NBUF,)),
            pltpu.SemaphoreType.DMA((_NBUF,)),
        ],
        compiler_params=pltpu.CompilerParams(use_tc_tiling_on_sc=False),
    )(idx2.reshape(_B, _T), tok_table, pos_table[:_T])


def kernel(idx, tok_table, pos_table):
    out = _emb(idx, tok_table, pos_table)
    return out.reshape(_B, _T, _D)

# --- scband reference (transcript-rebuilt; emitter-appended) ---
"""Pipeline reference for scband-transformer-90194313216507 (READ-ONLY COPY).

The authoritative reference and input builder live on the scoring server;
editing this copy changes nothing except your own understanding.
"""

import jax, jax.numpy as jnp
import numpy as np

VOCAB = 100000
DIM = 64
B = 4096
T = 200

def setup_inputs(seed: int = 0) -> dict:
    key = jax.random.key(seed)
    k1, k2, k3 = jax.random.split(key, 3)
    idx = jax.random.randint(k1, (B, T), 0, VOCAB, dtype=jnp.int64 if jax.config.jax_enable_x64 else jnp.int32).astype(jnp.int32)
    tok_table = jax.random.normal(k2, (VOCAB, DIM), dtype=jnp.float32) * 0.02
    pos_table = jax.random.normal(k3, (VOCAB, DIM), dtype=jnp.float32) * 0.02
    return {"idx": idx, "tok_table": tok_table, "pos_table": pos_table}

def reference(idx, tok_table, pos_table):
    # Faithful GPT-style transformer forward with empty block list:
    # x = token_embedding(idx) + position_embedding(arange(T)); blocks = identity
    Tlen = idx.shape[1]
    tok_emb = jnp.take(tok_table, idx, axis=0)            # [B, T, D] gather
    pos_ids = jnp.arange(Tlen, dtype=idx.dtype)
    pos_emb = jnp.take(pos_table, pos_ids, axis=0)        # [T, D] gather
    x = tok_emb + pos_emb[None, :, :]
    return x

if __name__ == "__main__":
    import jax
    _d = setup_inputs()
    print(jax.jit(kernel)(*tuple(_d.values())))

</pallas_src>

<mosaic_0001>
#map = affine_map<(d0, d1) -> (0, 0)>
module attributes {stable_mosaic.version = 14 : i64} {
  func.func @_emb_body(%arg0: i32, %arg1: i32, %arg2: memref<4096x200xi32, #tpu.memory_space<hbm>>, %arg3: memref<100000x64xf32, #tpu.memory_space<hbm>>, %arg4: memref<200x64xf32, #tpu.memory_space<hbm>>, %arg5: memref<819200x64xf32, #tpu.memory_space<hbm>>, %arg6: memref<128x200xi32, #tpu.memory_space<vmem>>, %arg7: memref<800x64xf32, #tpu.memory_space<vmem>>, %arg8: memref<200x64xf32, #tpu.memory_space<vmem>>, %arg9: memref<4x!tpu.dma_semaphore, #tpu.memory_space<semaphore_mem>>, %arg10: memref<4x!tpu.dma_semaphore, #tpu.memory_space<semaphore_mem>>) attributes {dimension_semantics = [#tpu.dimension_semantics<core_parallel>, #tpu.dimension_semantics<subcore_parallel>], iteration_bounds = array<i64: 2, 16>, scalar_prefetch = 0 : i64, scratch_operands = 5 : i64, tpu.core_type = #tpu.core_type<sc_vector_subcore>, window_params = [{transform_indices = #map}, {transform_indices = #map}, {transform_indices = #map}, {transform_indices = #map}]} {
    %mul3A = arith.constant 2 : i32
    %mul3A_0 = arith.muli %arg1, %mul3A : i32
    %add3A = arith.addi %mul3A_0, %arg0 : i32
    %mul3A_1 = arith.constant 128 : i32
    %mul3A_2 = arith.muli %add3A, %mul3A_1 : i32
    "tpu.region"() ({
      %run_scoped3A = tpu.sem_alloc : memref<!tpu.dma_semaphore, #tpu.memory_space<semaphore_mem>>
      %dma_start3A_141 = arith.constant 0 : i32
      %dma_start3A_142 = tpu.memref_slice %arg2[%mul3A_2, %dma_start3A_141] : memref<4096x200xi32, #tpu.memory_space<hbm>> -> memref<128x200xi32, #tpu.memory_space<hbm>>
      %dma_start3A_143 = arith.constant 0 : i32
      %dma_start3A_144 = tpu.memref_slice %arg2[%mul3A_2, %dma_start3A_143] : memref<4096x200xi32, #tpu.memory_space<hbm>> -> memref<128x200xi32, #tpu.memory_space<hbm>>
      tpu.enqueue_dma source(%dma_start3A_144 : memref<128x200xi32, #tpu.memory_space<hbm>>) target(%arg6 : memref<128x200xi32, #tpu.memory_space<vmem>>) target_semaphore(%run_scoped3A : memref<!tpu.dma_semaphore, #tpu.memory_space<semaphore_mem>>)
      %dma_wait3A_145 = arith.constant 0 : i32
      %dma_wait3A_146 = tpu.memref_slice %arg2[%mul3A_2, %dma_wait3A_145] : memref<4096x200xi32, #tpu.memory_space<hbm>> -> memref<128x200xi32, #tpu.memory_space<hbm>>
      %dma_wait3A_147 = arith.constant 0 : i32
      %dma_wait3A_148 = tpu.memref_slice %arg2[%mul3A_2, %dma_wait3A_147] : memref<4096x200xi32, #tpu.memory_space<hbm>> -> memref<128x200xi32, #tpu.memory_space<hbm>>
      tpu.wait_dma2 semaphore(%run_scoped3A : memref<!tpu.dma_semaphore, #tpu.memory_space<semaphore_mem>>) src(%dma_wait3A_148 : memref<128x200xi32, #tpu.memory_space<hbm>>) dst(%arg6 : memref<128x200xi32, #tpu.memory_space<vmem>>)
      tpu.yield
    }) : () -> ()
    "tpu.region"() ({
      %run_scoped3A = tpu.sem_alloc : memref<!tpu.dma_semaphore, #tpu.memory_space<semaphore_mem>>
      tpu.enqueue_dma source(%arg4 : memref<200x64xf32, #tpu.memory_space<hbm>>) target(%arg8 : memref<200x64xf32, #tpu.memory_space<vmem>>) target_semaphore(%run_scoped3A : memref<!tpu.dma_semaphore, #tpu.memory_space<semaphore_mem>>)
      tpu.wait_dma2 semaphore(%run_scoped3A : memref<!tpu.dma_semaphore, #tpu.memory_space<semaphore_mem>>) src(%arg4 : memref<200x64xf32, #tpu.memory_space<hbm>>) dst(%arg8 : memref<200x64xf32, #tpu.memory_space<vmem>>)
      tpu.yield
    }) : () -> ()
    %dma_start3A = arith.constant 0 : i32
    %dma_start3A_3 = arith.constant 0 : i32
    %dma_start3A_4 = arith.constant 0 : i32
    %dma_start3A_5 = arith.constant 0 : i32
    %dma_start3A_6 = tpu.memref_slice %arg7[%dma_start3A_4, %dma_start3A_5] : memref<800x64xf32, #tpu.memory_space<vmem>> -> memref<56x64xf32, #tpu.memory_space<vmem>>
    %dma_start3A_7 = arith.constant 0 : i32
    %dma_start3A_8 = tpu.memref_slice %arg6[%dma_start3A, %dma_start3A_7] : memref<128x200xi32, #tpu.memory_space<vmem>> -> memref<1x56xi32, #tpu.memory_space<vmem>>
    %dma_start3A_9 = tpu.memref_squeeze %dma_start3A_8 : memref<1x56xi32, #tpu.memory_space<vmem>> -> memref<56xi32, #tpu.memory_space<vmem>>
    %dma_start3A_10 = arith.constant 0 : i32
    %dma_start3A_11 = arith.constant 0 : i32
    %dma_start3A_12 = tpu.memref_slice %arg3[%dma_start3A_10, %dma_start3A_11] : memref<100000x64xf32, #tpu.memory_space<hbm>> -> memref<100000x64xf32, #tpu.memory_space<hbm>>
    %dma_start3A_13 = tpu.memref_slice %arg9[%dma_start3A_3] : memref<4x!tpu.dma_semaphore, #tpu.memory_space<semaphore_mem>> -> memref<1x!tpu.dma_semaphore, #tpu.memory_space<semaphore_mem>>
    %dma_start3A_14 = tpu.memref_squeeze %dma_start3A_13 : memref<1x!tpu.dma_semaphore, #tpu.memory_space<semaphore_mem>> -> memref<!tpu.dma_semaphore, #tpu.memory_space<semaphore_mem>>
    tpu.enqueue_indirect_dma source(%dma_start3A_12 : memref<100000x64xf32, #tpu.memory_space<hbm>>) target(%dma_start3A_6 : memref<56x64xf32, #tpu.memory_space<vmem>>) offsets(%dma_start3A_9 : memref<56xi32, #tpu.memory_space<vmem>>) semaphore(%dma_start3A_14 : memref<!tpu.dma_semaphore, #tpu.memory_space<semaphore_mem>>)
    %dma_start3A_15 = arith.constant 0 : i32
    %dma_start3A_16 = arith.constant 0 : i32
    %dma_start3A_17 = arith.constant 56 : i32
    %dma_start3A_18 = arith.constant 0 : i32
    %dma_start3A_19 = tpu.memref_slice %arg7[%dma_start3A_17, %dma_start3A_18] : memref<800x64xf32, #tpu.memory_space<vmem>> -> memref<48x64xf32, #tpu.memory_space<vmem>>
    %dma_start3A_20 = arith.constant 56 : i32
    %dma_start3A_21 = tpu.memref_slice %arg6[%dma_start3A_15, %dma_start3A_20] : memref<128x200xi32, #tpu.memory_space<vmem>> -> memref<1x48xi32, #tpu.memory_space<vmem>>
    %dma_start3A_22 = tpu.memref_squeeze %dma_start3A_21 : memref<1x48xi32, #tpu.memory_space<vmem>> -> memref<48xi32, #tpu.memory_space<vmem>>
    %dma_start3A_23 = arith.constant 0 : i32
    %dma_start3A_24 = arith.constant 0 : i32
    %dma_start3A_25 = tpu.memref_slice %arg3[%dma_start3A_23, %dma_start3A_24] : memref<100000x64xf32, #tpu.memory_space<hbm>> -> memref<100000x64xf32, #tpu.memory_space<hbm>>
    %dma_start3A_26 = tpu.memref_slice %arg9[%dma_start3A_16] : memref<4x!tpu.dma_semaphore, #tpu.memory_space<semaphore_mem>> -> memref<1x!tpu.dma_semaphore, #tpu.memory_space<semaphore_mem>>
    %dma_start3A_27 = tpu.memref_squeeze %dma_start3A_26 : memref<1x!tpu.dma_semaphore, #tpu.memory_space<semaphore_mem>> -> memref<!tpu.dma_semaphore, #tpu.memory_space<semaphore_mem>>
    tpu.enqueue_indirect_dma source(%dma_start3A_25 : memref<100000x64xf32, #tpu.memory_space<hbm>>) target(%dma_start3A_19 : memref<48x64xf32, #tpu.memory_space<vmem>>) offsets(%dma_start3A_22 : memref<48xi32, #tpu.memory_space<vmem>>) semaphore(%dma_start3A_27 : memref<!tpu.dma_semaphore, #tpu.memory_space<semaphore_mem>>)
    %dma_start3A_28 = arith.constant 0 : i32
    %dma_start3A_29 = arith.constant 0 : i32
    %dma_start3A_30 = arith.constant 104 : i32
    %dma_start3A_31 = arith.constant 0 : i32
    %dma_start3A_32 = tpu.memref_slice %arg7[%dma_start3A_30, %dma_start3A_31] : memref<800x64xf32, #tpu.memory_space<vmem>> -> memref<48x64xf32, #tpu.memory_space<vmem>>
    %dma_start3A_33 = arith.constant 104 : i32
    %dma_start3A_34 = tpu.memref_slice %arg6[%dma_start3A_28, %dma_start3A_33] : memref<128x200xi32, #tpu.memory_space<vmem>> -> memref<1x48xi32, #tpu.memory_space<vmem>>
    %dma_start3A_35 = tpu.memref_squeeze %dma_start3A_34 : memref<1x48xi32, #tpu.memory_space<vmem>> -> memref<48xi32, #tpu.memory_space<vmem>>
    %dma_start3A_36 = arith.constant 0 : i32
    %dma_start3A_37 = arith.constant 0 : i32
    %dma_start3A_38 = tpu.memref_slice %arg3[%dma_start3A_36, %dma_start3A_37] : memref<100000x64xf32, #tpu.memory_space<hbm>> -> memref<100000x64xf32, #tpu.memory_space<hbm>>
    %dma_start3A_39 = tpu.memref_slice %arg9[%dma_start3A_29] : memref<4x!tpu.dma_semaphore, #tpu.memory_space<semaphore_mem>> -> memref<1x!tpu.dma_semaphore, #tpu.memory_space<semaphore_mem>>
    %dma_start3A_40 = tpu.memref_squeeze %dma_start3A_39 : memref<1x!tpu.dma_semaphore, #tpu.memory_space<semaphore_mem>> -> memref<!tpu.dma_semaphore, #tpu.memory_space<semaphore_mem>>
    tpu.enqueue_indirect_dma source(%dma_start3A_38 : memref<100000x64xf32, #tpu.memory_space<hbm>>) target(%dma_start3A_32 : memref<48x64xf32, #tpu.memory_space<vmem>>) offsets(%dma_start3A_35 : memref<48xi32, #tpu.memory_space<vmem>>) semaphore(%dma_start3A_40 : memref<!tpu.dma_semaphore, #tpu.memory_space<semaphore_mem>>)
    %dma_start3A_41 = arith.constant 0 : i32
    %dma_start3A_42 = arith.constant 0 : i32
    %dma_start3A_43 = arith.constant 152 : i32
    %dma_start3A_44 = arith.constant 0 : i32
    %dma_start3A_45 = tpu.memref_slice %arg7[%dma_start3A_43, %dma_start3A_44] : memref<800x64xf32, #tpu.memory_space<vmem>> -> memref<48x64xf32, #tpu.memory_space<vmem>>
    %dma_start3A_46 = arith.constant 152 : i32
    %dma_start3A_47 = tpu.memref_slice %arg6[%dma_start3A_41, %dma_start3A_46] : memref<128x200xi32, #tpu.memory_space<vmem>> -> memref<1x48xi32, #tpu.memory_space<vmem>>
    %dma_start3A_48 = tpu.memref_squeeze %dma_start3A_47 : memref<1x48xi32, #tpu.memory_space<vmem>> -> memref<48xi32, #tpu.memory_space<vmem>>
    %dma_start3A_49 = arith.constant 0 : i32
    %dma_start3A_50 = arith.constant 0 : i32
    %dma_start3A_51 = tpu.memref_slice %arg3[%dma_start3A_49, %dma_start3A_50] : memref<100000x64xf32, #tpu.memory_space<hbm>> -> memref<100000x64xf32, #tpu.memory_space<hbm>>
    %dma_start3A_52 = tpu.memref_slice %arg9[%dma_start3A_42] : memref<4x!tpu.dma_semaphore, #tpu.memory_space<semaphore_mem>> -> memref<1x!tpu.dma_semaphore, #tpu.memory_space<semaphore_mem>>
    %dma_start3A_53 = tpu.memref_squeeze %dma_start3A_52 : memref<1x!tpu.dma_semaphore, #tpu.memory_space<semaphore_mem>> -> memref<!tpu.dma_semaphore, #tpu.memory_space<semaphore_mem>>
    tpu.enqueue_indirect_dma source(%dma_start3A_51 : memref<100000x64xf32, #tpu.memory_space<hbm>>) target(%dma_start3A_45 : memref<48x64xf32, #tpu.memory_space<vmem>>) offsets(%dma_start3A_48 : memref<48xi32, #tpu.memory_space<vmem>>) semaphore(%dma_start3A_53 : memref<!tpu.dma_semaphore, #tpu.memory_space<semaphore_mem>>)
    %dma_start3A_54 = arith.constant 1 : i32
    %dma_start3A_55 = arith.constant 1 : i32
    %dma_start3A_56 = arith.constant 200 : i32
    %dma_start3A_57 = arith.constant 0 : i32
    %dma_start3A_58 = tpu.memref_slice %arg7[%dma_start3A_56, %dma_start3A_57] : memref<800x64xf32, #tpu.memory_space<vmem>> -> memref<56x64xf32, #tpu.memory_space<vmem>>
    %dma_start3A_59 = arith.constant 0 : i32
    %dma_start3A_60 = tpu.memref_slice %arg6[%dma_start3A_54, %dma_start3A_59] : memref<128x200xi32, #tpu.memory_space<vmem>> -> memref<1x56xi32, #tpu.memory_space<vmem>>
    %dma_start3A_61 = tpu.memref_squeeze %dma_start3A_60 : memref<1x56xi32, #tpu.memory_space<vmem>> -> memref<56xi32, #tpu.memory_space<vmem>>
    %dma_start3A_62 = arith.constant 0 : i32
    %dma_start3A_63 = arith.constant 0 : i32
    %dma_start3A_64 = tpu.memref_slice %arg3[%dma_start3A_62, %dma_start3A_63] : memref<100000x64xf32, #tpu.memory_space<hbm>> -> memref<100000x64xf32, #tpu.memory_space<hbm>>
    %dma_start3A_65 = tpu.memref_slice %arg9[%dma_start3A_55] : memref<4x!tpu.dma_semaphore, #tpu.memory_space<semaphore_mem>> -> memref<1x!tpu.dma_semaphore, #tpu.memory_space<semaphore_mem>>
    %dma_start3A_66 = tpu.memref_squeeze %dma_start3A_65 : memref<1x!tpu.dma_semaphore, #tpu.memory_space<semaphore_mem>> -> memref<!tpu.dma_semaphore, #tpu.memory_space<semaphore_mem>>
    tpu.enqueue_indirect_dma source(%dma_start3A_64 : memref<100000x64xf32, #tpu.memory_space<hbm>>) target(%dma_start3A_58 : memref<56x64xf32, #tpu.memory_space<vmem>>) offsets(%dma_start3A_61 : memref<56xi32, #tpu.memory_space<vmem>>) semaphore(%dma_start3A_66 : memref<!tpu.dma_semaphore, #tpu.memory_space<semaphore_mem>>)
    %dma_start3A_67 = arith.constant 1 : i32
    %dma_start3A_68 = arith.constant 1 : i32
    %dma_start3A_69 = arith.constant 256 : i32
    %dma_start3A_70 = arith.constant 0 : i32
    %dma_start3A_71 = tpu.memref_slice %arg7[%dma_start3A_69, %dma_start3A_70] : memref<800x64xf32, #tpu.memory_space<vmem>> -> memref<48x64xf32, #tpu.memory_space<vmem>>
    %dma_start3A_72 = arith.constant 56 : i32
    %dma_start3A_73 = tpu.memref_slice %arg6[%dma_start3A_67, %dma_start3A_72] : memref<128x200xi32, #tpu.memory_space<vmem>> -> memref<1x48xi32, #tpu.memory_space<vmem>>
    %dma_start3A_74 = tpu.memref_squeeze %dma_start3A_73 : memref<1x48xi32, #tpu.memory_space<vmem>> -> memref<48xi32, #tpu.memory_space<vmem>>
    %dma_start3A_75 = arith.constant 0 : i32
    %dma_start3A_76 = arith.constant 0 : i32
    %dma_start3A_77 = tpu.memref_slice %arg3[%dma_start3A_75, %dma_start3A_76] : memref<100000x64xf32, #tpu.memory_space<hbm>> -> memref<100000x64xf32, #tpu.memory_space<hbm>>
    %dma_start3A_78 = tpu.memref_slice %arg9[%dma_start3A_68] : memref<4x!tpu.dma_semaphore, #tpu.memory_space<semaphore_mem>> -> memref<1x!tpu.dma_semaphore, #tpu.memory_space<semaphore_mem>>
    %dma_start3A_79 = tpu.memref_squeeze %dma_start3A_78 : memref<1x!tpu.dma_semaphore, #tpu.memory_space<semaphore_mem>> -> memref<!tpu.dma_semaphore, #tpu.memory_space<semaphore_mem>>
    tpu.enqueue_indirect_dma source(%dma_start3A_77 : memref<100000x64xf32, #tpu.memory_space<hbm>>) target(%dma_start3A_71 : memref<48x64xf32, #tpu.memory_space<vmem>>) offsets(%dma_start3A_74 : memref<48xi32, #tpu.memory_space<vmem>>) semaphore(%dma_start3A_79 : memref<!tpu.dma_semaphore, #tpu.memory_space<semaphore_mem>>)
    %dma_start3A_80 = arith.constant 1 : i32
    %dma_start3A_81 = arith.constant 1 : i32
    %dma_start3A_82 = arith.constant 304 : i32
    %dma_start3A_83 = arith.constant 0 : i32
    %dma_start3A_84 = tpu.memref_slice %arg7[%dma_start3A_82, %dma_start3A_83] : memref<800x64xf32, #tpu.memory_space<vmem>> -> memref<48x64xf32, #tpu.memory_space<vmem>>
    %dma_start3A_85 = arith.constant 104 : i32
    %dma_start3A_86 = tpu.memref_slice %arg6[%dma_start3A_80, %dma_start3A_85] : memref<128x200xi32, #tpu.memory_space<vmem>> -> memref<1x48xi32, #tpu.memory_space<vmem>>
    %dma_start3A_87 = tpu.memref_squeeze %dma_start3A_86 : memref<1x48xi32, #tpu.memory_space<vmem>> -> memref<48xi32, #tpu.memory_space<vmem>>
    %dma_start3A_88 = arith.constant 0 : i32
    %dma_start3A_89 = arith.constant 0 : i32
    %dma_start3A_90 = tpu.memref_slice %arg3[%dma_start3A_88, %dma_start3A_89] : memref<100000x64xf32, #tpu.memory_space<hbm>> -> memref<100000x64xf32, #tpu.memory_space<hbm>>
    %dma_start3A_91 = tpu.memref_slice %arg9[%dma_start3A_81] : memref<4x!tpu.dma_semaphore, #tpu.memory_space<semaphore_mem>> -> memref<1x!tpu.dma_semaphore, #tpu.memory_space<semaphore_mem>>
    %dma_start3A_92 = tpu.memref_squeeze %dma_start3A_91 : memref<1x!tpu.dma_semaphore, #tpu.memory_space<semaphore_mem>> -> memref<!tpu.dma_semaphore, #tpu.memory_space<semaphore_mem>>
    tpu.enqueue_indirect_dma source(%dma_start3A_90 : memref<100000x64xf32, #tpu.memory_space<hbm>>) target(%dma_start3A_84 : memref<48x64xf32, #tpu.memory_space<vmem>>) offsets(%dma_start3A_87 : memref<48xi32, #tpu.memory_space<vmem>>) semaphore(%dma_start3A_92 : memref<!tpu.dma_semaphore, #tpu.memory_space<semaphore_mem>>)
    %dma_start3A_93 = arith.constant 1 : i32
    %dma_start3A_94 = arith.constant 1 : i32
    %dma_start3A_95 = arith.constant 352 : i32
    %dma_start3A_96 = arith.constant 0 : i32
    %dma_start3A_97 = tpu.memref_slice %arg7[%dma_start3A_95, %dma_start3A_96] : memref<800x64xf32, #tpu.memory_space<vmem>> -> memref<48x64xf32, #tpu.memory_space<vmem>>
    %dma_start3A_98 = arith.constant 152 : i32
    %dma_start3A_99 = tpu.memref_slice %arg6[%dma_start3A_93, %dma_start3A_98] : memref<128x200xi32, #tpu.memory_space<vmem>> -> memref<1x48xi32, #tpu.memory_space<vmem>>
    %dma_start3A_100 = tpu.memref_squeeze %dma_start3A_99 : memref<1x48xi32, #tpu.memory_space<vmem>> -> memref<48xi32, #tpu.memory_space<vmem>>
    %dma_start3A_101 = arith.constant 0 : i32
    %dma_start3A_102 = arith.constant 0 : i32
    %dma_start3A_103 = tpu.memref_slice %arg3[%dma_start3A_101, %dma_start3A_102] : memref<100000x64xf32, #tpu.memory_space<hbm>> -> memref<100000x64xf32, #tpu.memory_space<hbm>>
    %dma_start3A_104 = tpu.memref_slice %arg9[%dma_start3A_94] : memref<4x!tpu.dma_semaphore, #tpu.memory_space<semaphore_mem>> -> memref<1x!tpu.dma_semaphore, #tpu.memory_space<semaphore_mem>>
    %dma_start3A_105 = tpu.memref_squeeze %dma_start3A_104 : memref<1x!tpu.dma_semaphore, #tpu.memory_space<semaphore_mem>> -> memref<!tpu.dma_semaphore, #tpu.memory_space<semaphore_mem>>
    tpu.enqueue_indirect_dma source(%dma_start3A_103 : memref<100000x64xf32, #tpu.memory_space<hbm>>) target(%dma_start3A_97 : memref<48x64xf32, #tpu.memory_space<vmem>>) offsets(%dma_start3A_100 : memref<48xi32, #tpu.memory_space<vmem>>) semaphore(%dma_start3A_105 : memref<!tpu.dma_semaphore, #tpu.memory_space<semaphore_mem>>)
    %scan3A = arith.constant 0 : i32
    %scan3A_106 = arith.constant 0 : i32
    %scan3A_107 = arith.constant 32 : i32
    %scan3A_108 = arith.addi %scan3A_106, %scan3A_107 : i32
    %scan3A_109 = arith.constant 1 : i32
    %scan3A_110 = scf.for %scan3A_141 = %scan3A_106 to %scan3A_108 step %scan3A_109 iter_args(%scan3A_142 = %scan3A) -> (i32)  : i32 {
      %mul3A_143 = arith.constant 4 : i32
      %mul3A_144 = arith.muli %scan3A_141, %mul3A_143 : i32
      %add3A_145 = arith.constant 0 : i32
      %add3A_146 = arith.addi %mul3A_144, %add3A_145 : i32
      %dma_wait3A_147 = arith.constant 0 : i32
      %dma_wait3A_148 = arith.constant 0 : i32
      %dma_wait3A_149 = arith.constant 0 : i32
      %dma_wait3A_150 = arith.constant 0 : i32
      %dma_wait3A_151 = tpu.memref_slice %arg7[%dma_wait3A_149, %dma_wait3A_150] : memref<800x64xf32, #tpu.memory_space<vmem>> -> memref<56x64xf32, #tpu.memory_space<vmem>>
      %dma_wait3A_152 = arith.constant 0 : i32
      %dma_wait3A_153 = tpu.memref_slice %arg6[%dma_wait3A_147, %dma_wait3A_152] : memref<128x200xi32, #tpu.memory_space<vmem>> -> memref<1x56xi32, #tpu.memory_space<vmem>>
      %dma_wait3A_154 = tpu.memref_squeeze %dma_wait3A_153 : memref<1x56xi32, #tpu.memory_space<vmem>> -> memref<56xi32, #tpu.memory_space<vmem>>
      %dma_wait3A_155 = arith.constant 0 : i32
      %dma_wait3A_156 = arith.constant 0 : i32
      %dma_wait3A_157 = tpu.memref_slice %arg3[%dma_wait3A_155, %dma_wait3A_156] : memref<100000x64xf32, #tpu.memory_space<hbm>> -> memref<100000x64xf32, #tpu.memory_space<hbm>>
      %dma_wait3A_158 = tpu.memref_slice %arg9[%dma_wait3A_148] : memref<4x!tpu.dma_semaphore, #tpu.memory_space<semaphore_mem>> -> memref<1x!tpu.dma_semaphore, #tpu.memory_space<semaphore_mem>>
      %dma_wait3A_159 = tpu.memref_squeeze %dma_wait3A_158 : memref<1x!tpu.dma_semaphore, #tpu.memory_space<semaphore_mem>> -> memref<!tpu.dma_semaphore, #tpu.memory_space<semaphore_mem>>
      tpu.wait_indirect_dma semaphore(%dma_wait3A_159 : memref<!tpu.dma_semaphore, #tpu.memory_space<semaphore_mem>>) src(%dma_wait3A_157 : memref<100000x64xf32, #tpu.memory_space<hbm>>) dst(%dma_wait3A_151 : memref<56x64xf32, #tpu.memory_space<vmem>>)
      %dma_wait3A_160 = arith.constant 0 : i32
      %dma_wait3A_161 = arith.constant 0 : i32
      %dma_wait3A_162 = arith.constant 56 : i32
      %dma_wait3A_163 = arith.constant 0 : i32
      %dma_wait3A_164 = tpu.memref_slice %arg7[%dma_wait3A_162, %dma_wait3A_163] : memref<800x64xf32, #tpu.memory_space<vmem>> -> memref<48x64xf32, #tpu.memory_space<vmem>>
      %dma_wait3A_165 = arith.constant 56 : i32
      %dma_wait3A_166 = tpu.memref_slice %arg6[%dma_wait3A_160, %dma_wait3A_165] : memref<128x200xi32, #tpu.memory_space<vmem>> -> memref<1x48xi32, #tpu.memory_space<vmem>>
      %dma_wait3A_167 = tpu.memref_squeeze %dma_wait3A_166 : memref<1x48xi32, #tpu.memory_space<vmem>> -> memref<48xi32, #tpu.memory_space<vmem>>
      %dma_wait3A_168 = arith.constant 0 : i32
      %dma_wait3A_169 = arith.constant 0 : i32
      %dma_wait3A_170 = tpu.memref_slice %arg3[%dma_wait3A_168, %dma_wait3A_169] : memref<100000x64xf32, #tpu.memory_space<hbm>> -> memref<100000x64xf32, #tpu.memory_space<hbm>>
      %dma_wait3A_171 = tpu.memref_slice %arg9[%dma_wait3A_161] : memref<4x!tpu.dma_semaphore, #tpu.memory_space<semaphore_mem>> -> memref<1x!tpu.dma_semaphore, #tpu.memory_space<semaphore_mem>>
      %dma_wait3A_172 = tpu.memref_squeeze %dma_wait3A_171 : memref<1x!tpu.dma_semaphore, #tpu.memory_space<semaphore_mem>> -> memref<!tpu.dma_semaphore, #tpu.memory_space<semaphore_mem>>
      tpu.wait_indirect_dma semaphore(%dma_wait3A_172 : memref<!tpu.dma_semaphore, #tpu.memory_space<semaphore_mem>>) src(%dma_wait3A_170 : memref<100000x64xf32, #tpu.memory_space<hbm>>) dst(%dma_wait3A_164 : memref<48x64xf32, #tpu.memory_space<vmem>>)
      %dma_wait3A_173 = arith.constant 0 : i32
      %dma_wait3A_174 = arith.constant 0 : i32
      %dma_wait3A_175 = arith.constant 104 : i32
      %dma_wait3A_176 = arith.constant 0 : i32
      %dma_wait3A_177 = tpu.memref_slice %arg7[%dma_wait3A_175, %dma_wait3A_176] : memref<800x64xf32, #tpu.memory_space<vmem>> -> memref<48x64xf32, #tpu.memory_space<vmem>>
      %dma_wait3A_178 = arith.constant 104 : i32
      %dma_wait3A_179 = tpu.memref_slice %arg6[%dma_wait3A_173, %dma_wait3A_178] : memref<128x200xi32, #tpu.memory_space<vmem>> -> memref<1x48xi32, #tpu.memory_space<vmem>>
      %dma_wait3A_180 = tpu.memref_squeeze %dma_wait3A_179 : memref<1x48xi32, #tpu.memory_space<vmem>> -> memref<48xi32, #tpu.memory_space<vmem>>
      %dma_wait3A_181 = arith.constant 0 : i32
      %dma_wait3A_182 = arith.constant 0 : i32
      %dma_wait3A_183 = tpu.memref_slice %arg3[%dma_wait3A_181, %dma_wait3A_182] : memref<100000x64xf32, #tpu.memory_space<hbm>> -> memref<100000x64xf32, #tpu.memory_space<hbm>>
      %dma_wait3A_184 = tpu.memref_slice %arg9[%dma_wait3A_174] : memref<4x!tpu.dma_semaphore, #tpu.memory_space<semaphore_mem>> -> memref<1x!tpu.dma_semaphore, #tpu.memory_space<semaphore_mem>>
      %dma_wait3A_185 = tpu.memref_squeeze %dma_wait3A_184 : memref<1x!tpu.dma_semaphore, #tpu.memory_space<semaphore_mem>> -> memref<!tpu.dma_semaphore, #tpu.memory_space<semaphore_mem>>
      tpu.wait_indirect_dma semaphore(%dma_wait3A_185 : memref<!tpu.dma_semaphore, #tpu.memory_space<semaphore_mem>>) src(%dma_wait3A_183 : memref<100000x64xf32, #tpu.memory_space<hbm>>) dst(%dma_wait3A_177 : memref<48x64xf32, #tpu.memory_space<vmem>>)
      %dma_wait3A_186 = arith.constant 0 : i32
      %dma_wait3A_187 = arith.constant 0 : i32
      %dma_wait3A_188 = arith.constant 152 : i32
      %dma_wait3A_189 = arith.constant 0 : i32
      %dma_wait3A_190 = tpu.memref_slice %arg7[%dma_wait3A_188, %dma_wait3A_189] : memref<800x64xf32, #tpu.memory_space<vmem>> -> memref<48x64xf32, #tpu.memory_space<vmem>>
      %dma_wait3A_191 = arith.constant 152 : i32
      %dma_wait3A_192 = tpu.memref_slice %arg6[%dma_wait3A_186, %dma_wait3A_191] : memref<128x200xi32, #tpu.memory_space<vmem>> -> memref<1x48xi32, #tpu.memory_space<vmem>>
      %dma_wait3A_193 = tpu.memref_squeeze %dma_wait3A_192 : memref<1x48xi32, #tpu.memory_space<vmem>> -> memref<48xi32, #tpu.memory_space<vmem>>
      %dma_wait3A_194 = arith.constant 0 : i32
      %dma_wait3A_195 = arith.constant 0 : i32
      %dma_wait3A_196 = tpu.memref_slice %arg3[%dma_wait3A_194, %dma_wait3A_195] : memref<100000x64xf32, #tpu.memory_space<hbm>> -> memref<100000x64xf32, #tpu.memory_space<hbm>>
      %dma_wait3A_197 = tpu.memref_slice %arg9[%dma_wait3A_187] : memref<4x!tpu.dma_semaphore, #tpu.memory_space<semaphore_mem>> -> memref<1x!tpu.dma_semaphore, #tpu.memory_space<semaphore_mem>>
      %dma_wait3A_198 = tpu.memref_squeeze %dma_wait3A_197 : memref<1x!tpu.dma_semaphore, #tpu.memory_space<semaphore_mem>> -> memref<!tpu.dma_semaphore, #tpu.memory_space<semaphore_mem>>
      tpu.wait_indirect_dma semaphore(%dma_wait3A_198 : memref<!tpu.dma_semaphore, #tpu.memory_space<semaphore_mem>>) src(%dma_wait3A_196 : memref<100000x64xf32, #tpu.memory_space<hbm>>) dst(%dma_wait3A_190 : memref<48x64xf32, #tpu.memory_space<vmem>>)
      %scan3A_199 = arith.constant 0 : i32
      %scan3A_200 = arith.constant 0 : i32
      %scan3A_201 = arith.constant 100 : i32
      %scan3A_202 = arith.addi %scan3A_200, %scan3A_201 : i32
      %scan3A_203 = arith.constant 1 : i32
      %scan3A_204 = scf.for %scan3A_504 = %scan3A_200 to %scan3A_202 step %scan3A_203 iter_args(%scan3A_505 = %scan3A_199) -> (i32)  : i32 {
        %mul3A_506 = arith.constant 2 : i32
        %mul3A_507 = arith.muli %scan3A_504, %mul3A_506 : i32
        %add3A_508 = arith.constant 0 : i32
        %add3A_509 = arith.addi %mul3A_507, %add3A_508 : i32
        %add3A_510 = arith.constant 0 : i32
        %add3A_511 = arith.addi %add3A_510, %add3A_509 : i32
        %get3A = arith.index_cast %add3A_509 : i32 to index
        %get3A_512 = arith.constant 0 : index
        %get3A_513 = tpu.vector_load %arg8[%get3A, %get3A_512] {strides = array<i32>} : memref<200x64xf32, #tpu.memory_space<vmem>>, vector<1x16xf32>,
        %get3A_514 = vector.shape_cast %get3A_513 : vector<1x16xf32> to vector<16xf32>
        %swap3A = arith.index_cast %add3A_511 : i32 to index
        %swap3A_515 = arith.constant 0 : index
        %swap3A_516 = tpu.vector_load %arg7[%swap3A, %swap3A_515] {strides = array<i32>} : memref<800x64xf32, #tpu.memory_space<vmem>>, vector<1x16xf32>,
        %swap3A_517 = vector.shape_cast %swap3A_516 : vector<1x16xf32> to vector<16xf32>
        %swap3A_518 = vector.shape_cast %get3A_514 : vector<16xf32> to vector<1x16xf32>
        tpu.vector_store %arg7[%swap3A, %swap3A_515], %swap3A_518 {add = true, strides = array<i32>} : memref<800x64xf32, #tpu.memory_space<vmem>>, vector<1x16xf32>,
        %add3A_519 = arith.constant 0 : i32
        %add3A_520 = arith.addi %add3A_519, %add3A_509 : i32
        %get3A_521 = arith.index_cast %add3A_509 : i32 to index
        %get3A_522 = arith.constant 16 : index
        %get3A_523 = tpu.vector_load %arg8[%get3A_521, %get3A_522] {strides = array<i32>} : memref<200x64xf32, #tpu.memory_space<vmem>>, vector<1x16xf32>,
        %get3A_524 = vector.shape_cast %get3A_523 : vector<1x16xf32> to vector<16xf32>
        %swap3A_525 = arith.index_cast %add3A_520 : i32 to index
        %swap3A_526 = arith.constant 16 : index
        %swap3A_527 = tpu.vector_load %arg7[%swap3A_525, %swap3A_526] {strides = array<i32>} : memref<800x64xf32, #tpu.memory_space<vmem>>, vector<1x16xf32>,
        %swap3A_528 = vector.shape_cast %swap3A_527 : vector<1x16xf32> to vector<16xf32>
        %swap3A_529 = vector.shape_cast %get3A_524 : vector<16xf32> to vector<1x16xf32>
        tpu.vector_store %arg7[%swap3A_525, %swap3A_526], %swap3A_529 {add = true, strides = array<i32>} : memref<800x64xf32, #tpu.memory_space<vmem>>, vector<1x16xf32>,
        %add3A_530 = arith.constant 0 : i32
        %add3A_531 = arith.addi %add3A_530, %add3A_509 : i32
        %get3A_532 = arith.index_cast %add3A_509 : i32 to index
        %get3A_533 = arith.constant 32 : index
        %get3A_534 = tpu.vector_load %arg8[%get3A_532, %get3A_533] {strides = array<i32>} : memref<200x64xf32, #tpu.memory_space<vmem>>, vector<1x16xf32>,
        %get3A_535 = vector.shape_cast %get3A_534 : vector<1x16xf32> to vector<16xf32>
        %swap3A_536 = arith.index_cast %add3A_531 : i32 to index
        %swap3A_537 = arith.constant 32 : index
        %swap3A_538 = tpu.vector_load %arg7[%swap3A_536, %swap3A_537] {strides = array<i32>} : memref<800x64xf32, #tpu.memory_space<vmem>>, vector<1x16xf32>,
        %swap3A_539 = vector.shape_cast %swap3A_538 : vector<1x16xf32> to vector<16xf32>
        %swap3A_540 = vector.shape_cast %get3A_535 : vector<16xf32> to vector<1x16xf32>
        tpu.vector_store %arg7[%swap3A_536, %swap3A_537], %swap3A_540 {add = true, strides = array<i32>} : memref<800x64xf32, #tpu.memory_space<vmem>>, vector<1x16xf32>,
        %add3A_541 = arith.constant 0 : i32
        %add3A_542 = arith.addi %add3A_541, %add3A_509 : i32
        %get3A_543 = arith.index_cast %add3A_509 : i32 to index
        %get3A_544 = arith.constant 48 : index
        %get3A_545 = tpu.vector_load %arg8[%get3A_543, %get3A_544] {strides = array<i32>} : memref<200x64xf32, #tpu.memory_space<vmem>>, vector<1x16xf32>,
        %get3A_546 = vector.shape_cast %get3A_545 : vector<1x16xf32> to vector<16xf32>
        %swap3A_547 = arith.index_cast %add3A_542 : i32 to index
        %swap3A_548 = arith.constant 48 : index
        %swap3A_549 = tpu.vector_load %arg7[%swap3A_547, %swap3A_548] {strides = array<i32>} : memref<800x64xf32, #tpu.memory_space<vmem>>, vector<1x16xf32>,
        %swap3A_550 = vector.shape_cast %swap3A_549 : vector<1x16xf32> to vector<16xf32>
        %swap3A_551 = vector.shape_cast %get3A_546 : vector<16xf32> to vector<1x16xf32>
        tpu.vector_store %arg7[%swap3A_547, %swap3A_548], %swap3A_551 {add = true, strides = array<i32>} : memref<800x64xf32, #tpu.memory_space<vmem>>, vector<1x16xf32>,
        %mul3A_552 = arith.constant 2 : i32
        %mul3A_553 = arith.muli %scan3A_504, %mul3A_552 : i32
        %add3A_554 = arith.constant 1 : i32
        %add3A_555 = arith.addi %mul3A_553, %add3A_554 : i32
        %add3A_556 = arith.constant 0 : i32
        %add3A_557 = arith.addi %add3A_556, %add3A_555 : i32
        %get3A_558 = arith.index_cast %add3A_555 : i32 to index
        %get3A_559 = arith.constant 0 : index
        %get3A_560 = tpu.vector_load %arg8[%get3A_558, %get3A_559] {strides = array<i32>} : memref<200x64xf32, #tpu.memory_space<vmem>>, vector<1x16xf32>,
        %get3A_561 = vector.shape_cast %get3A_560 : vector<1x16xf32> to vector<16xf32>
        %swap3A_562 = arith.index_cast %add3A_557 : i32 to index
        %swap3A_563 = arith.constant 0 : index
        %swap3A_564 = tpu.vector_load %arg7[%swap3A_562, %swap3A_563] {strides = array<i32>} : memref<800x64xf32, #tpu.memory_space<vmem>>, vector<1x16xf32>,
        %swap3A_565 = vector.shape_cast %swap3A_564 : vector<1x16xf32> to vector<16xf32>
        %swap3A_566 = vector.shape_cast %get3A_561 : vector<16xf32> to vector<1x16xf32>
        tpu.vector_store %arg7[%swap3A_562, %swap3A_563], %swap3A_566 {add = true, strides = array<i32>} : memref<800x64xf32, #tpu.memory_space<vmem>>, vector<1x16xf32>,
        %add3A_567 = arith.constant 0 : i32
        %add3A_568 = arith.addi %add3A_567, %add3A_555 : i32
        %get3A_569 = arith.index_cast %add3A_555 : i32 to index
        %get3A_570 = arith.constant 16 : index
        %get3A_571 = tpu.vector_load %arg8[%get3A_569, %get3A_570] {strides = array<i32>} : memref<200x64xf32, #tpu.memory_space<vmem>>, vector<1x16xf32>,
        %get3A_572 = vector.shape_cast %get3A_571 : vector<1x16xf32> to vector<16xf32>
        %swap3A_573 = arith.index_cast %add3A_568 : i32 to index
        %swap3A_574 = arith.constant 16 : index
        %swap3A_575 = tpu.vector_load %arg7[%swap3A_573, %swap3A_574] {strides = array<i32>} : memref<800x64xf32, #tpu.memory_space<vmem>>, vector<1x16xf32>,
        %swap3A_576 = vector.shape_cast %swap3A_575 : vector<1x16xf32> to vector<16xf32>
        %swap3A_577 = vector.shape_cast %get3A_572 : vector<16xf32> to vector<1x16xf32>
        tpu.vector_store %arg7[%swap3A_573, %swap3A_574], %swap3A_577 {add = true, strides = array<i32>} : memref<800x64xf32, #tpu.memory_space<vmem>>, vector<1x16xf32>,
        %add3A_578 = arith.constant 0 : i32
        %add3A_579 = arith.addi %add3A_578, %add3A_555 : i32
        %get3A_580 = arith.index_cast %add3A_555 : i32 to index
        %get3A_581 = arith.constant 32 : index
        %get3A_582 = tpu.vector_load %arg8[%get3A_580, %get3A_581] {strides = array<i32>} : memref<200x64xf32, #tpu.memory_space<vmem>>, vector<1x16xf32>,
        %get3A_583 = vector.shape_cast %get3A_582 : vector<1x16xf32> to vector<16xf32>
        %swap3A_584 = arith.index_cast %add3A_579 : i32 to index
        %swap3A_585 = arith.constant 32 : index
        %swap3A_586 = tpu.vector_load %arg7[%swap3A_584, %swap3A_585] {strides = array<i32>} : memref<800x64xf32, #tpu.memory_space<vmem>>, vector<1x16xf32>,
        %swap3A_587 = vector.shape_cast %swap3A_586 : vector<1x16xf32> to vector<16xf32>
        %swap3A_588 = vector.shape_cast %get3A_583 : vector<16xf32> to vector<1x16xf32>
        tpu.vector_store %arg7[%swap3A_584, %swap3A_585], %swap3A_588 {add = true, strides = array<i32>} : memref<800x64xf32, #tpu.memory_space<vmem>>, vector<1x16xf32>,
        %add3A_589 = arith.constant 0 : i32
        %add3A_590 = arith.addi %add3A_589, %add3A_555 : i32
        %get3A_591 = arith.index_cast %add3A_555 : i32 to index
        %get3A_592 = arith.constant 48 : index
        %get3A_593 = tpu.vector_load %arg8[%get3A_591, %get3A_592] {strides = array<i32>} : memref<200x64xf32, #tpu.memory_space<vmem>>, vector<1x16xf32>,
        %get3A_594 = vector.shape_cast %get3A_593 : vector<1x16xf32> to vector<16xf32>
        %swap3A_595 = arith.index_cast %add3A_590 : i32 to index
        %swap3A_596 = arith.constant 48 : index
        %swap3A_597 = tpu.vector_load %arg7[%swap3A_595, %swap3A_596] {strides = array<i32>} : memref<800x64xf32, #tpu.memory_space<vmem>>, vector<1x16xf32>,
        %swap3A_598 = vector.shape_cast %swap3A_597 : vector<1x16xf32> to vector<16xf32>
        %swap3A_599 = vector.shape_cast %get3A_594 : vector<16xf32> to vector<1x16xf32>
        tpu.vector_store %arg7[%swap3A_595, %swap3A_596], %swap3A_599 {add = true, strides = array<i32>} : memref<800x64xf32, #tpu.memory_space<vmem>>, vector<1x16xf32>,
        %scan3A_600 = arith.constant 0 : i32
        scf.yield %scan3A_600 : i32
      }
      %scan3A_205 = arith.constant 100 : i32
      %add3A_206 = arith.addi %mul3A_2, %add3A_146 : i32
      %mul3A_207 = arith.constant 200 : i32
      %mul3A_208 = arith.muli %add3A_206, %mul3A_207 : i32
      %dma_start3A_209 = arith.constant 0 : i32
      %dma_start3A_210 = arith.constant 0 : i32
      %dma_start3A_211 = arith.constant 0 : i32
      %dma_start3A_212 = tpu.memref_slice %arg7[%dma_start3A_210, %dma_start3A_211] : memref<800x64xf32, #tpu.memory_space<vmem>> -> memref<200x64xf32, #tpu.memory_space<vmem>>
      %dma_start3A_213 = arith.constant 0 : i32
      %dma_start3A_214 = tpu.memref_slice %arg5[%mul3A_208, %dma_start3A_213] : memref<819200x64xf32, #tpu.memory_space<hbm>> -> memref<200x64xf32, #tpu.memory_space<hbm>>
      %dma_start3A_215 = tpu.memref_slice %arg10[%dma_start3A_209] : memref<4x!tpu.dma_semaphore, #tpu.memory_space<semaphore_mem>> -> memref<1x!tpu.dma_semaphore, #tpu.memory_space<semaphore_mem>>
      %dma_start3A_216 = tpu.memref_squeeze %dma_start3A_215 : memref<1x!tpu.dma_semaphore, #tpu.memory_space<semaphore_mem>> -> memref<!tpu.dma_semaphore, #tpu.memory_space<semaphore_mem>>
      %dma_start3A_217 = arith.constant 0 : i32
      %dma_start3A_218 = tpu.memref_slice %arg5[%mul3A_208, %dma_start3A_217] : memref<819200x64xf32, #tpu.memory_space<hbm>> -> memref<200x64xf32, #tpu.memory_space<hbm>>
      %dma_start3A_219 = arith.constant 0 : i32
      %dma_start3A_220 = arith.constant 0 : i32
      %dma_start3A_221 = tpu.memref_slice %arg7[%dma_start3A_219, %dma_start3A_220] : memref<800x64xf32, #tpu.memory_space<vmem>> -> memref<200x64xf32, #tpu.memory_space<vmem>>
      tpu.enqueue_dma source(%dma_start3A_221 : memref<200x64xf32, #tpu.memory_space<vmem>>) target(%dma_start3A_218 : memref<200x64xf32, #tpu.memory_space<hbm>>) target_semaphore(%dma_start3A_216 : memref<!tpu.dma_semaphore, #tpu.memory_space<semaphore_mem>>)
      %add3A_222 = arith.constant 2 : i32
      %add3A_223 = arith.addi %add3A_146, %add3A_222 : i32
      %ge3A = arith.constant 4 : i32
      %ge3A_224 = arith.cmpi sge, %add3A_223, %ge3A : i32
      %convert_element_type3A = arith.extui %ge3A_224 : i1 to i32
      %cond3A = arith.constant 0 : i32
      %cond3A_225 = arith.cmpi ne, %convert_element_type3A, %cond3A : i32
      scf.if %cond3A_225 {
        %dma_wait3A_504 = arith.constant 2 : i32
        %dma_wait3A_505 = arith.constant 400 : i32
        %dma_wait3A_506 = arith.constant 0 : i32
        %dma_wait3A_507 = tpu.memref_slice %arg7[%dma_wait3A_505, %dma_wait3A_506] : memref<800x64xf32, #tpu.memory_space<vmem>> -> memref<200x64xf32, #tpu.memory_space<vmem>>
        %dma_wait3A_508 = arith.constant 0 : i32
        %dma_wait3A_509 = arith.constant 0 : i32
        %dma_wait3A_510 = tpu.memref_slice %arg5[%dma_wait3A_508, %dma_wait3A_509] : memref<819200x64xf32, #tpu.memory_space<hbm>> -> memref<200x64xf32, #tpu.memory_space<hbm>>
        %dma_wait3A_511 = tpu.memref_slice %arg10[%dma_wait3A_504] : memref<4x!tpu.dma_semaphore, #tpu.memory_space<semaphore_mem>> -> memref<1x!tpu.dma_semaphore, #tpu.memory_space<semaphore_mem>>
        %dma_wait3A_512 = tpu.memref_squeeze %dma_wait3A_511 : memref<1x!tpu.dma_semaphore, #tpu.memory_space<semaphore_mem>> -> memref<!tpu.dma_semaphore, #tpu.memory_space<semaphore_mem>>
        %dma_wait3A_513 = arith.constant 0 : i32
        %dma_wait3A_514 = arith.constant 0 : i32
        %dma_wait3A_515 = tpu.memref_slice %arg5[%dma_wait3A_513, %dma_wait3A_514] : memref<819200x64xf32, #tpu.memory_space<hbm>> -> memref<200x64xf32, #tpu.memory_space<hbm>>
        %dma_wait3A_516 = arith.constant 400 : i32
        %dma_wait3A_517 = arith.constant 0 : i32
        %dma_wait3A_518 = tpu.memref_slice %arg7[%dma_wait3A_516, %dma_wait3A_517] : memref<800x64xf32, #tpu.memory_space<vmem>> -> memref<200x64xf32, #tpu.memory_space<vmem>>
        tpu.wait_dma2 semaphore(%dma_wait3A_512 : memref<!tpu.dma_semaphore, #tpu.memory_space<semaphore_mem>>) src(%dma_wait3A_518 : memref<200x64xf32, #tpu.memory_space<vmem>>) dst(%dma_wait3A_515 : memref<200x64xf32, #tpu.memory_space<hbm>>)
      } else {
      }
      %lt3A = arith.constant 128 : i32
      %lt3A_226 = arith.cmpi slt, %add3A_223, %lt3A : i32
      %convert_element_type3A_227 = arith.extui %lt3A_226 : i1 to i32
      %cond3A_228 = arith.constant 0 : i32
      %cond3A_229 = arith.cmpi ne, %convert_element_type3A_227, %cond3A_228 : i32
      scf.if %cond3A_229 {
        %dma_start3A_504 = arith.constant 2 : i32
        %dma_start3A_505 = arith.constant 400 : i32
        %dma_start3A_506 = arith.constant 0 : i32
        %dma_start3A_507 = tpu.memref_slice %arg7[%dma_start3A_505, %dma_start3A_506] : memref<800x64xf32, #tpu.memory_space<vmem>> -> memref<56x64xf32, #tpu.memory_space<vmem>>
        %dma_start3A_508 = arith.constant 0 : i32
        %dma_start3A_509 = tpu.memref_slice %arg6[%add3A_223, %dma_start3A_508] : memref<128x200xi32, #tpu.memory_space<vmem>> -> memref<1x56xi32, #tpu.memory_space<vmem>>
        %dma_start3A_510 = tpu.memref_squeeze %dma_start3A_509 : memref<1x56xi32, #tpu.memory_space<vmem>> -> memref<56xi32, #tpu.memory_space<vmem>>
        %dma_start3A_511 = arith.constant 0 : i32
        %dma_start3A_512 = arith.constant 0 : i32
        %dma_start3A_513 = tpu.memref_slice %arg3[%dma_start3A_511, %dma_start3A_512] : memref<100000x64xf32, #tpu.memory_space<hbm>> -> memref<100000x64xf32, #tpu.memory_space<hbm>>
        %dma_start3A_514 = tpu.memref_slice %arg9[%dma_start3A_504] : memref<4x!tpu.dma_semaphore, #tpu.memory_space<semaphore_mem>> -> memref<1x!tpu.dma_semaphore, #tpu.memory_space<semaphore_mem>>
        %dma_start3A_515 = tpu.memref_squeeze %dma_start3A_514 : memref<1x!tpu.dma_semaphore, #tpu.memory_space<semaphore_mem>> -> memref<!tpu.dma_semaphore, #tpu.memory_space<semaphore_mem>>
        tpu.enqueue_indirect_dma source(%dma_start3A_513 : memref<100000x64xf32, #tpu.memory_space<hbm>>) target(%dma_start3A_507 : memref<56x64xf32, #tpu.memory_space<vmem>>) offsets(%dma_start3A_510 : memref<56xi32, #tpu.memory_space<vmem>>) semaphore(%dma_start3A_515 : memref<!tpu.dma_semaphore, #tpu.memory_space<semaphore_mem>>)
        %dma_start3A_516 = arith.constant 2 : i32
        %dma_start3A_517 = arith.constant 456 : i32
        %dma_start3A_518 = arith.constant 0 : i32
        %dma_start3A_519 = tpu.memref_slice %arg7[%dma_start3A_517, %dma_start3A_518] : memref<800x64xf32, #tpu.memory_space<vmem>> -> memref<48x64xf32, #tpu.memory_space<vmem>>
        %dma_start3A_520 = arith.constant 56 : i32
        %dma_start3A_521 = tpu.memref_slice %arg6[%add3A_223, %dma_start3A_520] : memref<128x200xi32, #tpu.memory_space<vmem>> -> memref<1x48xi32, #tpu.memory_space<vmem>>
        %dma_start3A_522 = tpu.memref_squeeze %dma_start3A_521 : memref<1x48xi32, #tpu.memory_space<vmem>> -> memref<48xi32, #tpu.memory_space<vmem>>
        %dma_start3A_523 = arith.constant 0 : i32
        %dma_start3A_524 = arith.constant 0 : i32
        %dma_start3A_525 = tpu.memref_slice %arg3[%dma_start3A_523, %dma_start3A_524] : memref<100000x64xf32, #tpu.memory_space<hbm>> -> memref<100000x64xf32, #tpu.memory_space<hbm>>
        %dma_start3A_526 = tpu.memref_slice %arg9[%dma_start3A_516] : memref<4x!tpu.dma_semaphore, #tpu.memory_space<semaphore_mem>> -> memref<1x!tpu.dma_semaphore, #tpu.memory_space<semaphore_mem>>
        %dma_start3A_527 = tpu.memref_squeeze %dma_start3A_526 : memref<1x!tpu.dma_semaphore, #tpu.memory_space<semaphore_mem>> -> memref<!tpu.dma_semaphore, #tpu.memory_space<semaphore_mem>>
        tpu.enqueue_indirect_dma source(%dma_start3A_525 : memref<100000x64xf32, #tpu.memory_space<hbm>>) target(%dma_start3A_519 : memref<48x64xf32, #tpu.memory_space<vmem>>) offsets(%dma_start3A_522 : memref<48xi32, #tpu.memory_space<vmem>>) semaphore(%dma_start3A_527 : memref<!tpu.dma_semaphore, #tpu.memory_space<semaphore_mem>>)
        %dma_start3A_528 = arith.constant 2 : i32
        %dma_start3A_529 = arith.constant 504 : i32
        %dma_start3A_530 = arith.constant 0 : i32
        %dma_start3A_531 = tpu.memref_slice %arg7[%dma_start3A_529, %dma_start3A_530] : memref<800x64xf32, #tpu.memory_space<vmem>> -> memref<48x64xf32, #tpu.memory_space<vmem>>
        %dma_start3A_532 = arith.constant 104 : i32
        %dma_start3A_533 = tpu.memref_slice %arg6[%add3A_223, %dma_start3A_532] : memref<128x200xi32, #tpu.memory_space<vmem>> -> memref<1x48xi32, #tpu.memory_space<vmem>>
        %dma_start3A_534 = tpu.memref_squeeze %dma_start3A_533 : memref<1x48xi32, #tpu.memory_space<vmem>> -> memref<48xi32, #tpu.memory_space<vmem>>
        %dma_start3A_535 = arith.constant 0 : i32
        %dma_start3A_536 = arith.constant 0 : i32
        %dma_start3A_537 = tpu.memref_slice %arg3[%dma_start3A_535, %dma_start3A_536] : memref<100000x64xf32, #tpu.memory_space<hbm>> -> memref<100000x64xf32, #tpu.memory_space<hbm>>
        %dma_start3A_538 = tpu.memref_slice %arg9[%dma_start3A_528] : memref<4x!tpu.dma_semaphore, #tpu.memory_space<semaphore_mem>> -> memref<1x!tpu.dma_semaphore, #tpu.memory_space<semaphore_mem>>
        %dma_start3A_539 = tpu.memref_squeeze %dma_start3A_538 : memref<1x!tpu.dma_semaphore, #tpu.memory_space<semaphore_mem>> -> memref<!tpu.dma_semaphore, #tpu.memory_space<semaphore_mem>>
        tpu.enqueue_indirect_dma source(%dma_start3A_537 : memref<100000x64xf32, #tpu.memory_space<hbm>>) target(%dma_start3A_531 : memref<48x64xf32, #tpu.memory_space<vmem>>) offsets(%dma_start3A_534 : memref<48xi32, #tpu.memory_space<vmem>>) semaphore(%dma_start3A_539 : memref<!tpu.dma_semaphore, #tpu.memory_space<semaphore_mem>>)
        %dma_start3A_540 = arith.constant 2 : i32
        %dma_start3A_541 = arith.constant 552 : i32
        %dma_start3A_542 = arith.constant 0 : i32
        %dma_start3A_543 = tpu.memref_slice %arg7[%dma_start3A_541, %dma_start3A_542] : memref<800x64xf32, #tpu.memory_space<vmem>> -> memref<48x64xf32, #tpu.memory_space<vmem>>
        %dma_start3A_544 = arith.constant 152 : i32
        %dma_start3A_545 = tpu.memref_slice %arg6[%add3A_223, %dma_start3A_544] : memref<128x200xi32, #tpu.memory_space<vmem>> -> memref<1x48xi32, #tpu.memory_space<vmem>>
        %dma_start3A_546 = tpu.memref_squeeze %dma_start3A_545 : memref<1x48xi32, #tpu.memory_space<vmem>> -> memref<48xi32, #tpu.memory_space<vmem>>
        %dma_start3A_547 = arith.constant 0 : i32
        %dma_start3A_548 = arith.constant 0 : i32
        %dma_start3A_549 = tpu.memref_slice %arg3[%dma_start3A_547, %dma_start3A_548] : memref<100000x64xf32, #tpu.memory_space<hbm>> -> memref<100000x64xf32, #tpu.memory_space<hbm>>
        %dma_start3A_550 = tpu.memref_slice %arg9[%dma_start3A_540] : memref<4x!tpu.dma_semaphore, #tpu.memory_space<semaphore_mem>> -> memref<1x!tpu.dma_semaphore, #tpu.memory_space<semaphore_mem>>
        %dma_start3A_551 = tpu.memref_squeeze %dma_start3A_550 : memref<1x!tpu.dma_semaphore, #tpu.memory_space<semaphore_mem>> -> memref<!tpu.dma_semaphore, #tpu.memory_space<semaphore_mem>>
        tpu.enqueue_indirect_dma source(%dma_start3A_549 : memref<100000x64xf32, #tpu.memory_space<hbm>>) target(%dma_start3A_543 : memref<48x64xf32, #tpu.memory_space<vmem>>) offsets(%dma_start3A_546 : memref<48xi32, #tpu.memory_space<vmem>>) semaphore(%dma_start3A_551 : memref<!tpu.dma_semaphore, #tpu.memory_space<semaphore_mem>>)
      } else {
      }
      %mul3A_230 = arith.constant 4 : i32
      %mul3A_231 = arith.muli %scan3A_141, %mul3A_230 : i32
      %add3A_232 = arith.constant 1 : i32
      %add3A_233 = arith.addi %mul3A_231, %add3A_232 : i32
      %dma_wait3A_234 = arith.constant 0 : i32
      %dma_wait3A_235 = arith.constant 1 : i32
      %dma_wait3A_236 = arith.constant 200 : i32
      %dma_wait3A_237 = arith.constant 0 : i32
      %dma_wait3A_238 = tpu.memref_slice %arg7[%dma_wait3A_236, %dma_wait3A_237] : memref<800x64xf32, #tpu.memory_space<vmem>> -> memref<56x64xf32, #tpu.memory_space<vmem>>
      %dma_wait3A_239 = arith.constant 0 : i32
      %dma_wait3A_240 = tpu.memref_slice %arg6[%dma_wait3A_234, %dma_wait3A_239] : memref<128x200xi32, #tpu.memory_space<vmem>> -> memref<1x56xi32, #tpu.memory_space<vmem>>
      %dma_wait3A_241 = tpu.memref_squeeze %dma_wait3A_240 : memref<1x56xi32, #tpu.memory_space<vmem>> -> memref<56xi32, #tpu.memory_space<vmem>>
      %dma_wait3A_242 = arith.constant 0 : i32
      %dma_wait3A_243 = arith.constant 0 : i32
      %dma_wait3A_244 = tpu.memref_slice %arg3[%dma_wait3A_242, %dma_wait3A_243] : memref<100000x64xf32, #tpu.memory_space<hbm>> -> memref<100000x64xf32, #tpu.memory_space<hbm>>
      %dma_wait3A_245 = tpu.memref_slice %arg9[%dma_wait3A_235] : memref<4x!tpu.dma_semaphore, #tpu.memory_space<semaphore_mem>> -> memref<1x!tpu.dma_semaphore, #tpu.memory_space<semaphore_mem>>
      %dma_wait3A_246 = tpu.memref_squeeze %dma_wait3A_245 : memref<1x!tpu.dma_semaphore, #tpu.memory_space<semaphore_mem>> -> memref<!tpu.dma_semaphore, #tpu.memory_space<semaphore_mem>>
      tpu.wait_indirect_dma semaphore(%dma_wait3A_246 : memref<!tpu.dma_semaphore, #tpu.memory_space<semaphore_mem>>) src(%dma_wait3A_244 : memref<100000x64xf32, #tpu.memory_space<hbm>>) dst(%dma_wait3A_238 : memref<56x64xf32, #tpu.memory_space<vmem>>)
      %dma_wait3A_247 = arith.constant 0 : i32
      %dma_wait3A_248 = arith.constant 1 : i32
      %dma_wait3A_249 = arith.constant 256 : i32
      %dma_wait3A_250 = arith.constant 0 : i32
      %dma_wait3A_251 = tpu.memref_slice %arg7[%dma_wait3A_249, %dma_wait3A_250] : memref<800x64xf32, #tpu.memory_space<vmem>> -> memref<48x64xf32, #tpu.memory_space<vmem>>
      %dma_wait3A_252 = arith.constant 56 : i32
      %dma_wait3A_253 = tpu.memref_slice %arg6[%dma_wait3A_247, %dma_wait3A_252] : memref<128x200xi32, #tpu.memory_space<vmem>> -> memref<1x48xi32, #tpu.memory_space<vmem>>
      %dma_wait3A_254 = tpu.memref_squeeze %dma_wait3A_253 : memref<1x48xi32, #tpu.memory_space<vmem>> -> memref<48xi32, #tpu.memory_space<vmem>>
      %dma_wait3A_255 = arith.constant 0 : i32
      %dma_wait3A_256 = arith.constant 0 : i32
      %dma_wait3A_257 = tpu.memref_slice %arg3[%dma_wait3A_255, %dma_wait3A_256] : memref<100000x64xf32, #tpu.memory_space<hbm>> -> memref<100000x64xf32, #tpu.memory_space<hbm>>
      %dma_wait3A_258 = tpu.memref_slice %arg9[%dma_wait3A_248] : memref<4x!tpu.dma_semaphore, #tpu.memory_space<semaphore_mem>> -> memref<1x!tpu.dma_semaphore, #tpu.memory_space<semaphore_mem>>
      %dma_wait3A_259 = tpu.memref_squeeze %dma_wait3A_258 : memref<1x!tpu.dma_semaphore, #tpu.memory_space<semaphore_mem>> -> memref<!tpu.dma_semaphore, #tpu.memory_space<semaphore_mem>>
      tpu.wait_indirect_dma semaphore(%dma_wait3A_259 : memref<!tpu.dma_semaphore, #tpu.memory_space<semaphore_mem>>) src(%dma_wait3A_257 : memref<100000x64xf32, #tpu.memory_space<hbm>>) dst(%dma_wait3A_251 : memref<48x64xf32, #tpu.memory_space<vmem>>)
      %dma_wait3A_260 = arith.constant 0 : i32
      %dma_wait3A_261 = arith.constant 1 : i32
      %dma_wait3A_262 = arith.constant 304 : i32
      %dma_wait3A_263 = arith.constant 0 : i32
      %dma_wait3A_264 = tpu.memref_slice %arg7[%dma_wait3A_262, %dma_wait3A_263] : memref<800x64xf32, #tpu.memory_space<vmem>> -> memref<48x64xf32, #tpu.memory_space<vmem>>
      %dma_wait3A_265 = arith.constant 104 : i32
      %dma_wait3A_266 = tpu.memref_slice %arg6[%dma_wait3A_260, %dma_wait3A_265] : memref<128x200xi32, #tpu.memory_space<vmem>> -> memref<1x48xi32, #tpu.memory_space<vmem>>
      %dma_wait3A_267 = tpu.memref_squeeze %dma_wait3A_266 : memref<1x48xi32, #tpu.memory_space<vmem>> -> memref<48xi32, #tpu.memory_space<vmem>>
      %dma_wait3A_268 = arith.constant 0 : i32
      %dma_wait3A_269 = arith.constant 0 : i32
      %dma_wait3A_270 = tpu.memref_slice %arg3[%dma_wait3A_268, %dma_wait3A_269] : memref<100000x64xf32, #tpu.memory_space<hbm>> -> memref<100000x64xf32, #tpu.memory_space<hbm>>
      %dma_wait3A_271 = tpu.memref_slice %arg9[%dma_wait3A_261] : memref<4x!tpu.dma_semaphore, #tpu.memory_space<semaphore_mem>> -> memref<1x!tpu.dma_semaphore, #tpu.memory_space<semaphore_mem>>
      %dma_wait3A_272 = tpu.memref_squeeze %dma_wait3A_271 : memref<1x!tpu.dma_semaphore, #tpu.memory_space<semaphore_mem>> -> memref<!tpu.dma_semaphore, #tpu.memory_space<semaphore_mem>>
      tpu.wait_indirect_dma semaphore(%dma_wait3A_272 : memref<!tpu.dma_semaphore, #tpu.memory_space<semaphore_mem>>) src(%dma_wait3A_270 : memref<100000x64xf32, #tpu.memory_space<hbm>>) dst(%dma_wait3A_264 : memref<48x64xf32, #tpu.memory_space<vmem>>)
      %dma_wait3A_273 = arith.constant 0 : i32
      %dma_wait3A_274 = arith.constant 1 : i32
      %dma_wait3A_275 = arith.constant 352 : i32
      %dma_wait3A_276 = arith.constant 0 : i32
      %dma_wait3A_277 = tpu.memref_slice %arg7[%dma_wait3A_275, %dma_wait3A_276] : memref<800x64xf32, #tpu.memory_space<vmem>> -> memref<48x64xf32, #tpu.memory_space<vmem>>
      %dma_wait3A_278 = arith.constant 152 : i32
      %dma_wait3A_279 = tpu.memref_slice %arg6[%dma_wait3A_273, %dma_wait3A_278] : memref<128x200xi32, #tpu.memory_space<vmem>> -> memref<1x48xi32, #tpu.memory_space<vmem>>
      %dma_wait3A_280 = tpu.memref_squeeze %dma_wait3A_279 : memref<1x48xi32, #tpu.memory_space<vmem>> -> memref<48xi32, #tpu.memory_space<vmem>>
      %dma_wait3A_281 = arith.constant 0 : i32
      %dma_wait3A_282 = arith.constant 0 : i32
      %dma_wait3A_283 = tpu.memref_slice %arg3[%dma_wait3A_281, %dma_wait3A_282] : memref<100000x64xf32, #tpu.memory_space<hbm>> -> memref<100000x64xf32, #tpu.memory_space<hbm>>
      %dma_wait3A_284 = tpu.memref_slice %arg9[%dma_wait3A_274] : memref<4x!tpu.dma_semaphore, #tpu.memory_space<semaphore_mem>> -> memref<1x!tpu.dma_semaphore, #tpu.memory_space<semaphore_mem>>
      %dma_wait3A_285 = tpu.memref_squeeze %dma_wait3A_284 : memref<1x!tpu.dma_semaphore, #tpu.memory_space<semaphore_mem>> -> memref<!tpu.dma_semaphore, #tpu.memory_space<semaphore_mem>>
      tpu.wait_indirect_dma semaphore(%dma_wait3A_285 : memref<!tpu.dma_semaphore, #tpu.memory_space<semaphore_mem>>) src(%dma_wait3A_283 : memref<100000x64xf32, #tpu.memory_space<hbm>>) dst(%dma_wait3A_277 : memref<48x64xf32, #tpu.memory_space<vmem>>)
      %scan3A_286 = arith.constant 0 : i32
      %scan3A_287 = arith.constant 0 : i32
      %scan3A_288 = arith.constant 100 : i32
      %scan3A_289 = arith.addi %scan3A_287, %scan3A_288 : i32
      %scan3A_290 = arith.constant 1 : i32
      %scan3A_291 = scf.for %scan3A_504 = %scan3A_287 to %scan3A_289 step %scan3A_290 iter_args(%scan3A_505 = %scan3A_286) -> (i32)  : i32 {
        %mul3A_506 = arith.constant 2 : i32
        %mul3A_507 = arith.muli %scan3A_504, %mul3A_506 : i32
        %add3A_508 = arith.constant 0 : i32
        %add3A_509 = arith.addi %mul3A_507, %add3A_508 : i32
        %add3A_510 = arith.constant 200 : i32
        %add3A_511 = arith.addi %add3A_510, %add3A_509 : i32
        %get3A = arith.index_cast %add3A_509 : i32 to index
        %get3A_512 = arith.constant 0 : index
        %get3A_513 = tpu.vector_load %arg8[%get3A, %get3A_512] {strides = array<i32>} : memref<200x64xf32, #tpu.memory_space<vmem>>, vector<1x16xf32>,
        %get3A_514 = vector.shape_cast %get3A_513 : vector<1x16xf32> to vector<16xf32>
        %swap3A = arith.index_cast %add3A_511 : i32 to index
        %swap3A_515 = arith.constant 0 : index
        %swap3A_516 = tpu.vector_load %arg7[%swap3A, %swap3A_515] {strides = array<i32>} : memref<800x64xf32, #tpu.memory_space<vmem>>, vector<1x16xf32>,
        %swap3A_517 = vector.shape_cast %swap3A_516 : vector<1x16xf32> to vector<16xf32>
        %swap3A_518 = vector.shape_cast %get3A_514 : vector<16xf32> to vector<1x16xf32>
        tpu.vector_store %arg7[%swap3A, %swap3A_515], %swap3A_518 {add = true, strides = array<i32>} : memref<800x64xf32, #tpu.memory_space<vmem>>, vector<1x16xf32>,
        %add3A_519 = arith.constant 200 : i32
        %add3A_520 = arith.addi %add3A_519, %add3A_509 : i32
        %get3A_521 = arith.index_cast %add3A_509 : i32 to index
        %get3A_522 = arith.constant 16 : index
        %get3A_523 = tpu.vector_load %arg8[%get3A_521, %get3A_522] {strides = array<i32>} : memref<200x64xf32, #tpu.memory_space<vmem>>, vector<1x16xf32>,
        %get3A_524 = vector.shape_cast %get3A_523 : vector<1x16xf32> to vector<16xf32>
        %swap3A_525 = arith.index_cast %add3A_520 : i32 to index
        %swap3A_526 = arith.constant 16 : index
        %swap3A_527 = tpu.vector_load %arg7[%swap3A_525, %swap3A_526] {strides = array<i32>} : memref<800x64xf32, #tpu.memory_space<vmem>>, vector<1x16xf32>,
        %swap3A_528 = vector.shape_cast %swap3A_527 : vector<1x16xf32> to vector<16xf32>
        %swap3A_529 = vector.shape_cast %get3A_524 : vector<16xf32> to vector<1x16xf32>
        tpu.vector_store %arg7[%swap3A_525, %swap3A_526], %swap3A_529 {add = true, strides = array<i32>} : memref<800x64xf32, #tpu.memory_space<vmem>>, vector<1x16xf32>,
        %add3A_530 = arith.constant 200 : i32
        %add3A_531 = arith.addi %add3A_530, %add3A_509 : i32
        %get3A_532 = arith.index_cast %add3A_509 : i32 to index
        %get3A_533 = arith.constant 32 : index
        %get3A_534 = tpu.vector_load %arg8[%get3A_532, %get3A_533] {strides = array<i32>} : memref<200x64xf32, #tpu.memory_space<vmem>>, vector<1x16xf32>,
        %get3A_535 = vector.shape_cast %get3A_534 : vector<1x16xf32> to vector<16xf32>
        %swap3A_536 = arith.index_cast %add3A_531 : i32 to index
        %swap3A_537 = arith.constant 32 : index
        %swap3A_538 = tpu.vector_load %arg7[%swap3A_536, %swap3A_537] {strides = array<i32>} : memref<800x64xf32, #tpu.memory_space<vmem>>, vector<1x16xf32>,
        %swap3A_539 = vector.shape_cast %swap3A_538 : vector<1x16xf32> to vector<16xf32>
        %swap3A_540 = vector.shape_cast %get3A_535 : vector<16xf32> to vector<1x16xf32>
        tpu.vector_store %arg7[%swap3A_536, %swap3A_537], %swap3A_540 {add = true, strides = array<i32>} : memref<800x64xf32, #tpu.memory_space<vmem>>, vector<1x16xf32>,
        %add3A_541 = arith.constant 200 : i32
        %add3A_542 = arith.addi %add3A_541, %add3A_509 : i32
        %get3A_543 = arith.index_cast %add3A_509 : i32 to index
        %get3A_544 = arith.constant 48 : index
        %get3A_545 = tpu.vector_load %arg8[%get3A_543, %get3A_544] {strides = array<i32>} : memref<200x64xf32, #tpu.memory_space<vmem>>, vector<1x16xf32>,
        %get3A_546 = vector.shape_cast %get3A_545 : vector<1x16xf32> to vector<16xf32>
        %swap3A_547 = arith.index_cast %add3A_542 : i32 to index
        %swap3A_548 = arith.constant 48 : index
        %swap3A_549 = tpu.vector_load %arg7[%swap3A_547, %swap3A_548] {strides = array<i32>} : memref<800x64xf32, #tpu.memory_space<vmem>>, vector<1x16xf32>,
        %swap3A_550 = vector.shape_cast %swap3A_549 : vector<1x16xf32> to vector<16xf32>
        %swap3A_551 = vector.shape_cast %get3A_546 : vector<16xf32> to vector<1x16xf32>
        tpu.vector_store %arg7[%swap3A_547, %swap3A_548], %swap3A_551 {add = true, strides = array<i32>} : memref<800x64xf32, #tpu.memory_space<vmem>>, vector<1x16xf32>,
        %mul3A_552 = arith.constant 2 : i32
        %mul3A_553 = arith.muli %scan3A_504, %mul3A_552 : i32
        %add3A_554 = arith.constant 1 : i32
        %add3A_555 = arith.addi %mul3A_553, %add3A_554 : i32
        %add3A_556 = arith.constant 200 : i32
        %add3A_557 = arith.addi %add3A_556, %add3A_555 : i32
        %get3A_558 = arith.index_cast %add3A_555 : i32 to index
        %get3A_559 = arith.constant 0 : index
        %get3A_560 = tpu.vector_load %arg8[%get3A_558, %get3A_559] {strides = array<i32>} : memref<200x64xf32, #tpu.memory_space<vmem>>, vector<1x16xf32>,
        %get3A_561 = vector.shape_cast %get3A_560 : vector<1x16xf32> to vector<16xf32>
        %swap3A_562 = arith.index_cast %add3A_557 : i32 to index
        %swap3A_563 = arith.constant 0 : index
        %swap3A_564 = tpu.vector_load %arg7[%swap3A_562, %swap3A_563] {strides = array<i32>} : memref<800x64xf32, #tpu.memory_space<vmem>>, vector<1x16xf32>,
        %swap3A_565 = vector.shape_cast %swap3A_564 : vector<1x16xf32> to vector<16xf32>
        %swap3A_566 = vector.shape_cast %get3A_561 : vector<16xf32> to vector<1x16xf32>
        tpu.vector_store %arg7[%swap3A_562, %swap3A_563], %swap3A_566 {add = true, strides = array<i32>} : memref<800x64xf32, #tpu.memory_space<vmem>>, vector<1x16xf32>,
        %add3A_567 = arith.constant 200 : i32
        %add3A_568 = arith.addi %add3A_567, %add3A_555 : i32
        %get3A_569 = arith.index_cast %add3A_555 : i32 to index
        %get3A_570 = arith.constant 16 : index
        %get3A_571 = tpu.vector_load %arg8[%get3A_569, %get3A_570] {strides = array<i32>} : memref<200x64xf32, #tpu.memory_space<vmem>>, vector<1x16xf32>,
        %get3A_572 = vector.shape_cast %get3A_571 : vector<1x16xf32> to vector<16xf32>
        %swap3A_573 = arith.index_cast %add3A_568 : i32 to index
        %swap3A_574 = arith.constant 16 : index
        %swap3A_575 = tpu.vector_load %arg7[%swap3A_573, %swap3A_574] {strides = array<i32>} : memref<800x64xf32, #tpu.memory_space<vmem>>, vector<1x16xf32>,
        %swap3A_576 = vector.shape_cast %swap3A_575 : vector<1x16xf32> to vector<16xf32>
        %swap3A_577 = vector.shape_cast %get3A_572 : vector<16xf32> to vector<1x16xf32>
        tpu.vector_store %arg7[%swap3A_573, %swap3A_574], %swap3A_577 {add = true, strides = array<i32>} : memref<800x64xf32, #tpu.memory_space<vmem>>, vector<1x16xf32>,
        %add3A_578 = arith.constant 200 : i32
        %add3A_579 = arith.addi %add3A_578, %add3A_555 : i32
        %get3A_580 = arith.index_cast %add3A_555 : i32 to index
        %get3A_581 = arith.constant 32 : index
        %get3A_582 = tpu.vector_load %arg8[%get3A_580, %get3A_581] {strides = array<i32>} : memref<200x64xf32, #tpu.memory_space<vmem>>, vector<1x16xf32>,
        %get3A_583 = vector.shape_cast %get3A_582 : vector<1x16xf32> to vector<16xf32>
        %swap3A_584 = arith.index_cast %add3A_579 : i32 to index
        %swap3A_585 = arith.constant 32 : index
        %swap3A_586 = tpu.vector_load %arg7[%swap3A_584, %swap3A_585] {strides = array<i32>} : memref<800x64xf32, #tpu.memory_space<vmem>>, vector<1x16xf32>,
        %swap3A_587 = vector.shape_cast %swap3A_586 : vector<1x16xf32> to vector<16xf32>
        %swap3A_588 = vector.shape_cast %get3A_583 : vector<16xf32> to vector<1x16xf32>
        tpu.vector_store %arg7[%swap3A_584, %swap3A_585], %swap3A_588 {add = true, strides = array<i32>} : memref<800x64xf32, #tpu.memory_space<vmem>>, vector<1x16xf32>,
        %add3A_589 = arith.constant 200 : i32
        %add3A_590 = arith.addi %add3A_589, %add3A_555 : i32
        %get3A_591 = arith.index_cast %add3A_555 : i32 to index
        %get3A_592 = arith.constant 48 : index
        %get3A_593 = tpu.vector_load %arg8[%get3A_591, %get3A_592] {strides = array<i32>} : memref<200x64xf32, #tpu.memory_space<vmem>>, vector<1x16xf32>,
        %get3A_594 = vector.shape_cast %get3A_593 : vector<1x16xf32> to vector<16xf32>
        %swap3A_595 = arith.index_cast %add3A_590 : i32 to index
        %swap3A_596 = arith.constant 48 : index
        %swap3A_597 = tpu.vector_load %arg7[%swap3A_595, %swap3A_596] {strides = array<i32>} : memref<800x64xf32, #tpu.memory_space<vmem>>, vector<1x16xf32>,
        %swap3A_598 = vector.shape_cast %swap3A_597 : vector<1x16xf32> to vector<16xf32>
        %swap3A_599 = vector.shape_cast %get3A_594 : vector<16xf32> to vector<1x16xf32>
        tpu.vector_store %arg7[%swap3A_595, %swap3A_596], %swap3A_599 {add = true, strides = array<i32>} : memref<800x64xf32, #tpu.memory_space<vmem>>, vector<1x16xf32>,
        %scan3A_600 = arith.constant 0 : i32
        scf.yield %scan3A_600 : i32
      }
      %scan3A_292 = arith.constant 100 : i32
      %add3A_293 = arith.addi %mul3A_2, %add3A_233 : i32
      %mul3A_294 = arith.constant 200 : i32
      %mul3A_295 = arith.muli %add3A_293, %mul3A_294 : i32
      %dma_start3A_296 = arith.constant 1 : i32
      %dma_start3A_297 = arith.constant 200 : i32
      %dma_start3A_298 = arith.constant 0 : i32
      %dma_start3A_299 = tpu.memref_slice %arg7[%dma_start3A_297, %dma_start3A_298] : memref<800x64xf32, #tpu.memory_space<vmem>> -> memref<200x64xf32, #tpu.memory_space<vmem>>
      %dma_start3A_300 = arith.constant 0 : i32
      %dma_start3A_301 = tpu.memref_slice %arg5[%mul3A_295, %dma_start3A_300] : memref<819200x64xf32, #tpu.memory_space<hbm>> -> memref<200x64xf32, #tpu.memory_space<hbm>>
      %dma_start3A_302 = tpu.memref_slice %arg10[%dma_start3A_296] : memref<4x!tpu.dma_semaphore, #tpu.memory_space<semaphore_mem>> -> memref<1x!tpu.dma_semaphore, #tpu.memory_space<semaphore_mem>>
      %dma_start3A_303 = tpu.memref_squeeze %dma_start3A_302 : memref<1x!tpu.dma_semaphore, #tpu.memory_space<semaphore_mem>> -> memref<!tpu.dma_semaphore, #tpu.memory_space<semaphore_mem>>
      %dma_start3A_304 = arith.constant 0 : i32
      %dma_start3A_305 = tpu.memref_slice %arg5[%mul3A_295, %dma_start3A_304] : memref<819200x64xf32, #tpu.memory_space<hbm>> -> memref<200x64xf32, #tpu.memory_space<hbm>>
      %dma_start3A_306 = arith.constant 200 : i32
      %dma_start3A_307 = arith.constant 0 : i32
      %dma_start3A_308 = tpu.memref_slice %arg7[%dma_start3A_306, %dma_start3A_307] : memref<800x64xf32, #tpu.memory_space<vmem>> -> memref<200x64xf32, #tpu.memory_space<vmem>>
      tpu.enqueue_dma source(%dma_start3A_308 : memref<200x64xf32, #tpu.memory_space<vmem>>) target(%dma_start3A_305 : memref<200x64xf32, #tpu.memory_space<hbm>>) target_semaphore(%dma_start3A_303 : memref<!tpu.dma_semaphore, #tpu.memory_space<semaphore_mem>>)
      %add3A_309 = arith.constant 2 : i32
      %add3A_310 = arith.addi %add3A_233, %add3A_309 : i32
      %ge3A_311 = arith.constant 4 : i32
      %ge3A_312 = arith.cmpi sge, %add3A_310, %ge3A_311 : i32
      %convert_element_type3A_313 = arith.extui %ge3A_312 : i1 to i32
      %cond3A_314 = arith.constant 0 : i32
      %cond3A_315 = arith.cmpi ne, %convert_element_type3A_313, %cond3A_314 : i32
      scf.if %cond3A_315 {
        %dma_wait3A_504 = arith.constant 3 : i32
        %dma_wait3A_505 = arith.constant 600 : i32
        %dma_wait3A_506 = arith.constant 0 : i32
        %dma_wait3A_507 = tpu.memref_slice %arg7[%dma_wait3A_505, %dma_wait3A_506] : memref<800x64xf32, #tpu.memory_space<vmem>> -> memref<200x64xf32, #tpu.memory_space<vmem>>
        %dma_wait3A_508 = arith.constant 0 : i32
        %dma_wait3A_509 = arith.constant 0 : i32
        %dma_wait3A_510 = tpu.memref_slice %arg5[%dma_wait3A_508, %dma_wait3A_509] : memref<819200x64xf32, #tpu.memory_space<hbm>> -> memref<200x64xf32, #tpu.memory_space<hbm>>
        %dma_wait3A_511 = tpu.memref_slice %arg10[%dma_wait3A_504] : memref<4x!tpu.dma_semaphore, #tpu.memory_space<semaphore_mem>> -> memref<1x!tpu.dma_semaphore, #tpu.memory_space<semaphore_mem>>
        %dma_wait3A_512 = tpu.memref_squeeze %dma_wait3A_511 : memref<1x!tpu.dma_semaphore, #tpu.memory_space<semaphore_mem>> -> memref<!tpu.dma_semaphore, #tpu.memory_space<semaphore_mem>>
        %dma_wait3A_513 = arith.constant 0 : i32
        %dma_wait3A_514 = arith.constant 0 : i32
        %dma_wait3A_515 = tpu.memref_slice %arg5[%dma_wait3A_513, %dma_wait3A_514] : memref<819200x64xf32, #tpu.memory_space<hbm>> -> memref<200x64xf32, #tpu.memory_space<hbm>>
        %dma_wait3A_516 = arith.constant 600 : i32
        %dma_wait3A_517 = arith.constant 0 : i32
        %dma_wait3A_518 = tpu.memref_slice %arg7[%dma_wait3A_516, %dma_wait3A_517] : memref<800x64xf32, #tpu.memory_space<vmem>> -> memref<200x64xf32, #tpu.memory_space<vmem>>
        tpu.wait_dma2 semaphore(%dma_wait3A_512 : memref<!tpu.dma_semaphore, #tpu.memory_space<semaphore_mem>>) src(%dma_wait3A_518 : memref<200x64xf32, #tpu.memory_space<vmem>>) dst(%dma_wait3A_515 : memref<200x64xf32, #tpu.memory_space<hbm>>)
      } else {
      }
      %lt3A_316 = arith.constant 128 : i32
      %lt3A_317 = arith.cmpi slt, %add3A_310, %lt3A_316 : i32
      %convert_element_type3A_318 = arith.extui %lt3A_317 : i1 to i32
      %cond3A_319 = arith.constant 0 : i32
      %cond3A_320 = arith.cmpi ne, %convert_element_type3A_318, %cond3A_319 : i32
      scf.if %cond3A_320 {
        %dma_start3A_504 = arith.constant 3 : i32
        %dma_start3A_505 = arith.constant 600 : i32
        %dma_start3A_506 = arith.constant 0 : i32
        %dma_start3A_507 = tpu.memref_slice %arg7[%dma_start3A_505, %dma_start3A_506] : memref<800x64xf32, #tpu.memory_space<vmem>> -> memref<56x64xf32, #tpu.memory_space<vmem>>
        %dma_start3A_508 = arith.constant 0 : i32
        %dma_start3A_509 = tpu.memref_slice %arg6[%add3A_310, %dma_start3A_508] : memref<128x200xi32, #tpu.memory_space<vmem>> -> memref<1x56xi32, #tpu.memory_space<vmem>>
        %dma_start3A_510 = tpu.memref_squeeze %dma_start3A_509 : memref<1x56xi32, #tpu.memory_space<vmem>> -> memref<56xi32, #tpu.memory_space<vmem>>
        %dma_start3A_511 = arith.constant 0 : i32
        %dma_start3A_512 = arith.constant 0 : i32
        %dma_start3A_513 = tpu.memref_slice %arg3[%dma_start3A_511, %dma_start3A_512] : memref<100000x64xf32, #tpu.memory_space<hbm>> -> memref<100000x64xf32, #tpu.memory_space<hbm>>
        %dma_start3A_514 = tpu.memref_slice %arg9[%dma_start3A_504] : memref<4x!tpu.dma_semaphore, #tpu.memory_space<semaphore_mem>> -> memref<1x!tpu.dma_semaphore, #tpu.memory_space<semaphore_mem>>
        %dma_start3A_515 = tpu.memref_squeeze %dma_start3A_514 : memref<1x!tpu.dma_semaphore, #tpu.memory_space<semaphore_mem>> -> memref<!tpu.dma_semaphore, #tpu.memory_space<semaphore_mem>>
        tpu.enqueue_indirect_dma source(%dma_start3A_513 : memref<100000x64xf32, #tpu.memory_space<hbm>>) target(%dma_start3A_507 : memref<56x64xf32, #tpu.memory_space<vmem>>) offsets(%dma_start3A_510 : memref<56xi32, #tpu.memory_space<vmem>>) semaphore(%dma_start3A_515 : memref<!tpu.dma_semaphore, #tpu.memory_space<semaphore_mem>>)
        %dma_start3A_516 = arith.constant 3 : i32
        %dma_start3A_517 = arith.constant 656 : i32
        %dma_start3A_518 = arith.constant 0 : i32
        %dma_start3A_519 = tpu.memref_slice %arg7[%dma_start3A_517, %dma_start3A_518] : memref<800x64xf32, #tpu.memory_space<vmem>> -> memref<48x64xf32, #tpu.memory_space<vmem>>
        %dma_start3A_520 = arith.constant 56 : i32
        %dma_start3A_521 = tpu.memref_slice %arg6[%add3A_310, %dma_start3A_520] : memref<128x200xi32, #tpu.memory_space<vmem>> -> memref<1x48xi32, #tpu.memory_space<vmem>>
        %dma_start3A_522 = tpu.memref_squeeze %dma_start3A_521 : memref<1x48xi32, #tpu.memory_space<vmem>> -> memref<48xi32, #tpu.memory_space<vmem>>
        %dma_start3A_523 = arith.constant 0 : i32
        %dma_start3A_524 = arith.constant 0 : i32
        %dma_start3A_525 = tpu.memref_slice %arg3[%dma_start3A_523, %dma_start3A_524] : memref<100000x64xf32, #tpu.memory_space<hbm>> -> memref<100000x64xf32, #tpu.memory_space<hbm>>
        %dma_start3A_526 = tpu.memref_slice %arg9[%dma_start3A_516] : memref<4x!tpu.dma_semaphore, #tpu.memory_space<semaphore_mem>> -> memref<1x!tpu.dma_semaphore, #tpu.memory_space<semaphore_mem>>
        %dma_start3A_527 = tpu.memref_squeeze %dma_start3A_526 : memref<1x!tpu.dma_semaphore, #tpu.memory_space<semaphore_mem>> -> memref<!tpu.dma_semaphore, #tpu.memory_space<semaphore_mem>>
        tpu.enqueue_indirect_dma source(%dma_start3A_525 : memref<100000x64xf32, #tpu.memory_space<hbm>>) target(%dma_start3A_519 : memref<48x64xf32, #tpu.memory_space<vmem>>) offsets(%dma_start3A_522 : memref<48xi32, #tpu.memory_space<vmem>>) semaphore(%dma_start3A_527 : memref<!tpu.dma_semaphore, #tpu.memory_space<semaphore_mem>>)
        %dma_start3A_528 = arith.constant 3 : i32
        %dma_start3A_529 = arith.constant 704 : i32
        %dma_start3A_530 = arith.constant 0 : i32
        %dma_start3A_531 = tpu.memref_slice %arg7[%dma_start3A_529, %dma_start3A_530] : memref<800x64xf32, #tpu.memory_space<vmem>> -> memref<48x64xf32, #tpu.memory_space<vmem>>
        %dma_start3A_532 = arith.constant 104 : i32
        %dma_start3A_533 = tpu.memref_slice %arg6[%add3A_310, %dma_start3A_532] : memref<128x200xi32, #tpu.memory_space<vmem>> -> memref<1x48xi32, #tpu.memory_space<vmem>>
        %dma_start3A_534 = tpu.memref_squeeze %dma_start3A_533 : memref<1x48xi32, #tpu.memory_space<vmem>> -> memref<48xi32, #tpu.memory_space<vmem>>
        %dma_start3A_535 = arith.constant 0 : i32
        %dma_start3A_536 = arith.constant 0 : i32
        %dma_start3A_537 = tpu.memref_slice %arg3[%dma_start3A_535, %dma_start3A_536] : memref<100000x64xf32, #tpu.memory_space<hbm>> -> memref<100000x64xf32, #tpu.memory_space<hbm>>
        %dma_start3A_538 = tpu.memref_slice %arg9[%dma_start3A_528] : memref<4x!tpu.dma_semaphore, #tpu.memory_space<semaphore_mem>> -> memref<1x!tpu.dma_semaphore, #tpu.memory_space<semaphore_mem>>
        %dma_start3A_539 = tpu.memref_squeeze %dma_start3A_538 : memref<1x!tpu.dma_semaphore, #tpu.memory_space<semaphore_mem>> -> memref<!tpu.dma_semaphore, #tpu.memory_space<semaphore_mem>>
        tpu.enqueue_indirect_dma source(%dma_start3A_537 : memref<100000x64xf32, #tpu.memory_space<hbm>>) target(%dma_start3A_531 : memref<48x64xf32, #tpu.memory_space<vmem>>) offsets(%dma_start3A_534 : memref<48xi32, #tpu.memory_space<vmem>>) semaphore(%dma_start3A_539 : memref<!tpu.dma_semaphore, #tpu.memory_space<semaphore_mem>>)
        %dma_start3A_540 = arith.constant 3 : i32
        %dma_start3A_541 = arith.constant 752 : i32
        %dma_start3A_542 = arith.constant 0 : i32
        %dma_start3A_543 = tpu.memref_slice %arg7[%dma_start3A_541, %dma_start3A_542] : memref<800x64xf32, #tpu.memory_space<vmem>> -> memref<48x64xf32, #tpu.memory_space<vmem>>
        %dma_start3A_544 = arith.constant 152 : i32
        %dma_start3A_545 = tpu.memref_slice %arg6[%add3A_310, %dma_start3A_544] : memref<128x200xi32, #tpu.memory_space<vmem>> -> memref<1x48xi32, #tpu.memory_space<vmem>>
        %dma_start3A_546 = tpu.memref_squeeze %dma_start3A_545 : memref<1x48xi32, #tpu.memory_space<vmem>> -> memref<48xi32, #tpu.memory_space<vmem>>
        %dma_start3A_547 = arith.constant 0 : i32
        %dma_start3A_548 = arith.constant 0 : i32
        %dma_start3A_549 = tpu.memref_slice %arg3[%dma_start3A_547, %dma_start3A_548] : memref<100000x64xf32, #tpu.memory_space<hbm>> -> memref<100000x64xf32, #tpu.memory_space<hbm>>
        %dma_start3A_550 = tpu.memref_slice %arg9[%dma_start3A_540] : memref<4x!tpu.dma_semaphore, #tpu.memory_space<semaphore_mem>> -> memref<1x!tpu.dma_semaphore, #tpu.memory_space<semaphore_mem>>
        %dma_start3A_551 = tpu.memref_squeeze %dma_start3A_550 : memref<1x!tpu.dma_semaphore, #tpu.memory_space<semaphore_mem>> -> memref<!tpu.dma_semaphore, #tpu.memory_space<semaphore_mem>>
        tpu.enqueue_indirect_dma source(%dma_start3A_549 : memref<100000x64xf32, #tpu.memory_space<hbm>>) target(%dma_start3A_543 : memref<48x64xf32, #tpu.memory_space<vmem>>) offsets(%dma_start3A_546 : memref<48xi32, #tpu.memory_space<vmem>>) semaphore(%dma_start3A_551 : memref<!tpu.dma_semaphore, #tpu.memory_space<semaphore_mem>>)
      } else {
      }
      %mul3A_321 = arith.constant 4 : i32
      %mul3A_322 = arith.muli %scan3A_141, %mul3A_321 : i32
      %add3A_323 = arith.constant 2 : i32
      %add3A_324 = arith.addi %mul3A_322, %add3A_323 : i32
      %dma_wait3A_325 = arith.constant 0 : i32
      %dma_wait3A_326 = arith.constant 2 : i32
      %dma_wait3A_327 = arith.constant 400 : i32
      %dma_wait3A_328 = arith.constant 0 : i32
      %dma_wait3A_329 = tpu.memref_slice %arg7[%dma_wait3A_327, %dma_wait3A_328] : memref<800x64xf32, #tpu.memory_space<vmem>> -> memref<56x64xf32, #tpu.memory_space<vmem>>
      %dma_wait3A_330 = arith.constant 0 : i32
      %dma_wait3A_331 = tpu.memref_slice %arg6[%dma_wait3A_325, %dma_wait3A_330] : memref<128x200xi32, #tpu.memory_space<vmem>> -> memref<1x56xi32, #tpu.memory_space<vmem>>
      %dma_wait3A_332 = tpu.memref_squeeze %dma_wait3A_331 : memref<1x56xi32, #tpu.memory_space<vmem>> -> memref<56xi32, #tpu.memory_space<vmem>>
      %dma_wait3A_333 = arith.constant 0 : i32
      %dma_wait3A_334 = arith.constant 0 : i32
      %dma_wait3A_335 = tpu.memref_slice %arg3[%dma_wait3A_333, %dma_wait3A_334] : memref<100000x64xf32, #tpu.memory_space<hbm>> -> memref<100000x64xf32, #tpu.memory_space<hbm>>
      %dma_wait3A_336 = tpu.memref_slice %arg9[%dma_wait3A_326] : memref<4x!tpu.dma_semaphore, #tpu.memory_space<semaphore_mem>> -> memref<1x!tpu.dma_semaphore, #tpu.memory_space<semaphore_mem>>
      %dma_wait3A_337 = tpu.memref_squeeze %dma_wait3A_336 : memref<1x!tpu.dma_semaphore, #tpu.memory_space<semaphore_mem>> -> memref<!tpu.dma_semaphore, #tpu.memory_space<semaphore_mem>>
      tpu.wait_indirect_dma semaphore(%dma_wait3A_337 : memref<!tpu.dma_semaphore, #tpu.memory_space<semaphore_mem>>) src(%dma_wait3A_335 : memref<100000x64xf32, #tpu.memory_space<hbm>>) dst(%dma_wait3A_329 : memref<56x64xf32, #tpu.memory_space<vmem>>)
      %dma_wait3A_338 = arith.constant 0 : i32
      %dma_wait3A_339 = arith.constant 2 : i32
      %dma_wait3A_340 = arith.constant 456 : i32
      %dma_wait3A_341 = arith.constant 0 : i32
      %dma_wait3A_342 = tpu.memref_slice %arg7[%dma_wait3A_340, %dma_wait3A_341] : memref<800x64xf32, #tpu.memory_space<vmem>> -> memref<48x64xf32, #tpu.memory_space<vmem>>
      %dma_wait3A_343 = arith.constant 56 : i32
      %dma_wait3A_344 = tpu.memref_slice %arg6[%dma_wait3A_338, %dma_wait3A_343] : memref<128x200xi32, #tpu.memory_space<vmem>> -> memref<1x48xi32, #tpu.memory_space<vmem>>
      %dma_wait3A_345 = tpu.memref_squeeze %dma_wait3A_344 : memref<1x48xi32, #tpu.memory_space<vmem>> -> memref<48xi32, #tpu.memory_space<vmem>>
      %dma_wait3A_346 = arith.constant 0 : i32
      %dma_wait3A_347 = arith.constant 0 : i32
      %dma_wait3A_348 = tpu.memref_slice %arg3[%dma_wait3A_346, %dma_wait3A_347] : memref<100000x64xf32, #tpu.memory_space<hbm>> -> memref<100000x64xf32, #tpu.memory_space<hbm>>
      %dma_wait3A_349 = tpu.memref_slice %arg9[%dma_wait3A_339] : memref<4x!tpu.dma_semaphore, #tpu.memory_space<semaphore_mem>> -> memref<1x!tpu.dma_semaphore, #tpu.memory_space<semaphore_mem>>
      %dma_wait3A_350 = tpu.memref_squeeze %dma_wait3A_349 : memref<1x!tpu.dma_semaphore, #tpu.memory_space<semaphore_mem>> -> memref<!tpu.dma_semaphore, #tpu.memory_space<semaphore_mem>>
      tpu.wait_indirect_dma semaphore(%dma_wait3A_350 : memref<!tpu.dma_semaphore, #tpu.memory_space<semaphore_mem>>) src(%dma_wait3A_348 : memref<100000x64xf32, #tpu.memory_space<hbm>>) dst(%dma_wait3A_342 : memref<48x64xf32, #tpu.memory_space<vmem>>)
      %dma_wait3A_351 = arith.constant 0 : i32
      %dma_wait3A_352 = arith.constant 2 : i32
      %dma_wait3A_353 = arith.constant 504 : i32
      %dma_wait3A_354 = arith.constant 0 : i32
      %dma_wait3A_355 = tpu.memref_slice %arg7[%dma_wait3A_353, %dma_wait3A_354] : memref<800x64xf32, #tpu.memory_space<vmem>> -> memref<48x64xf32, #tpu.memory_space<vmem>>
      %dma_wait3A_356 = arith.constant 104 : i32
      %dma_wait3A_357 = tpu.memref_slice %arg6[%dma_wait3A_351, %dma_wait3A_356] : memref<128x200xi32, #tpu.memory_space<vmem>> -> memref<1x48xi32, #tpu.memory_space<vmem>>
      %dma_wait3A_358 = tpu.memref_squeeze %dma_wait3A_357 : memref<1x48xi32, #tpu.memory_space<vmem>> -> memref<48xi32, #tpu.memory_space<vmem>>
      %dma_wait3A_359 = arith.constant 0 : i32
      %dma_wait3A_360 = arith.constant 0 : i32
      %dma_wait3A_361 = tpu.memref_slice %arg3[%dma_wait3A_359, %dma_wait3A_360] : memref<100000x64xf32, #tpu.memory_space<hbm>> -> memref<100000x64xf32, #tpu.memory_space<hbm>>
      %dma_wait3A_362 = tpu.memref_slice %arg9[%dma_wait3A_352] : memref<4x!tpu.dma_semaphore, #tpu.memory_space<semaphore_mem>> -> memref<1x!tpu.dma_semaphore, #tpu.memory_space<semaphore_mem>>
      %dma_wait3A_363 = tpu.memref_squeeze %dma_wait3A_362 : memref<1x!tpu.dma_semaphore, #tpu.memory_space<semaphore_mem>> -> memref<!tpu.dma_semaphore, #tpu.memory_space<semaphore_mem>>
      tpu.wait_indirect_dma semaphore(%dma_wait3A_363 : memref<!tpu.dma_semaphore, #tpu.memory_space<semaphore_mem>>) src(%dma_wait3A_361 : memref<100000x64xf32, #tpu.memory_space<hbm>>) dst(%dma_wait3A_355 : memref<48x64xf32, #tpu.memory_space<vmem>>)
      %dma_wait3A_364 = arith.constant 0 : i32
      %dma_wait3A_365 = arith.constant 2 : i32
      %dma_wait3A_366 = arith.constant 552 : i32
      %dma_wait3A_367 = arith.constant 0 : i32
      %dma_wait3A_368 = tpu.memref_slice %arg7[%dma_wait3A_366, %dma_wait3A_367] : memref<800x64xf32, #tpu.memory_space<vmem>> -> memref<48x64xf32, #tpu.memory_space<vmem>>
      %dma_wait3A_369 = arith.constant 152 : i32
      %dma_wait3A_370 = tpu.memref_slice %arg6[%dma_wait3A_364, %dma_wait3A_369] : memref<128x200xi32, #tpu.memory_space<vmem>> -> memref<1x48xi32, #tpu.memory_space<vmem>>
      %dma_wait3A_371 = tpu.memref_squeeze %dma_wait3A_370 : memref<1x48xi32, #tpu.memory_space<vmem>> -> memref<48xi32, #tpu.memory_space<vmem>>
      %dma_wait3A_372 = arith.constant 0 : i32
      %dma_wait3A_373 = arith.constant 0 : i32
      %dma_wait3A_374 = tpu.memref_slice %arg3[%dma_wait3A_372, %dma_wait3A_373] : memref<100000x64xf32, #tpu.memory_space<hbm>> -> memref<100000x64xf32, #tpu.memory_space<hbm>>
      %dma_wait3A_375 = tpu.memref_slice %arg9[%dma_wait3A_365] : memref<4x!tpu.dma_semaphore, #tpu.memory_space<semaphore_mem>> -> memref<1x!tpu.dma_semaphore, #tpu.memory_space<semaphore_mem>>
      %dma_wait3A_376 = tpu.memref_squeeze %dma_wait3A_375 : memref<1x!tpu.dma_semaphore, #tpu.memory_space<semaphore_mem>> -> memref<!tpu.dma_semaphore, #tpu.memory_space<semaphore_mem>>
      tpu.wait_indirect_dma semaphore(%dma_wait3A_376 : memref<!tpu.dma_semaphore, #tpu.memory_space<semaphore_mem>>) src(%dma_wait3A_374 : memref<100000x64xf32, #tpu.memory_space<hbm>>) dst(%dma_wait3A_368 : memref<48x64xf32, #tpu.memory_space<vmem>>)
      %scan3A_377 = arith.constant 0 : i32
      %scan3A_378 = arith.constant 0 : i32
      %scan3A_379 = arith.constant 100 : i32
      %scan3A_380 = arith.addi %scan3A_378, %scan3A_379 : i32
      %scan3A_381 = arith.constant 1 : i32
      %scan3A_382 = scf.for %scan3A_504 = %scan3A_378 to %scan3A_380 step %scan3A_381 iter_args(%scan3A_505 = %scan3A_377) -> (i32)  : i32 {
        %mul3A_506 = arith.constant 2 : i32
        %mul3A_507 = arith.muli %scan3A_504, %mul3A_506 : i32
        %add3A_508 = arith.constant 0 : i32
        %add3A_509 = arith.addi %mul3A_507, %add3A_508 : i32
        %add3A_510 = arith.constant 400 : i32
        %add3A_511 = arith.addi %add3A_510, %add3A_509 : i32
        %get3A = arith.index_cast %add3A_509 : i32 to index
        %get3A_512 = arith.constant 0 : index
        %get3A_513 = tpu.vector_load %arg8[%get3A, %get3A_512] {strides = array<i32>} : memref<200x64xf32, #tpu.memory_space<vmem>>, vector<1x16xf32>,
        %get3A_514 = vector.shape_cast %get3A_513 : vector<1x16xf32> to vector<16xf32>
        %swap3A = arith.index_cast %add3A_511 : i32 to index
        %swap3A_515 = arith.constant 0 : index
        %swap3A_516 = tpu.vector_load %arg7[%swap3A, %swap3A_515] {strides = array<i32>} : memref<800x64xf32, #tpu.memory_space<vmem>>, vector<1x16xf32>,
        %swap3A_517 = vector.shape_cast %swap3A_516 : vector<1x16xf32> to vector<16xf32>
        %swap3A_518 = vector.shape_cast %get3A_514 : vector<16xf32> to vector<1x16xf32>
        tpu.vector_store %arg7[%swap3A, %swap3A_515], %swap3A_518 {add = true, strides = array<i32>} : memref<800x64xf32, #tpu.memory_space<vmem>>, vector<1x16xf32>,
        %add3A_519 = arith.constant 400 : i32
        %add3A_520 = arith.addi %add3A_519, %add3A_509 : i32
        %get3A_521 = arith.index_cast %add3A_509 : i32 to index
        %get3A_522 = arith.constant 16 : index
        %get3A_523 = tpu.vector_load %arg8[%get3A_521, %get3A_522] {strides = array<i32>} : memref<200x64xf32, #tpu.memory_space<vmem>>, vector<1x16xf32>,
        %get3A_524 = vector.shape_cast %get3A_523 : vector<1x16xf32> to vector<16xf32>
        %swap3A_525 = arith.index_cast %add3A_520 : i32 to index
        %swap3A_526 = arith.constant 16 : index
        %swap3A_527 = tpu.vector_load %arg7[%swap3A_525, %swap3A_526] {strides = array<i32>} : memref<800x64xf32, #tpu.memory_space<vmem>>, vector<1x16xf32>,
        %swap3A_528 = vector.shape_cast %swap3A_527 : vector<1x16xf32> to vector<16xf32>
        %swap3A_529 = vector.shape_cast %get3A_524 : vector<16xf32> to vector<1x16xf32>
        tpu.vector_store %arg7[%swap3A_525, %swap3A_526], %swap3A_529 {add = true, strides = array<i32>} : memref<800x64xf32, #tpu.memory_space<vmem>>, vector<1x16xf32>,
        %add3A_530 = arith.constant 400 : i32
        %add3A_531 = arith.addi %add3A_530, %add3A_509 : i32
        %get3A_532 = arith.index_cast %add3A_509 : i32 to index
        %get3A_533 = arith.constant 32 : index
        %get3A_534 = tpu.vector_load %arg8[%get3A_532, %get3A_533] {strides = array<i32>} : memref<200x64xf32, #tpu.memory_space<vmem>>, vector<1x16xf32>,
        %get3A_535 = vector.shape_cast %get3A_534 : vector<1x16xf32> to vector<16xf32>
        %swap3A_536 = arith.index_cast %add3A_531 : i32 to index
        %swap3A_537 = arith.constant 32 : index
        %swap3A_538 = tpu.vector_load %arg7[%swap3A_536, %swap3A_537] {strides = array<i32>} : memref<800x64xf32, #tpu.memory_space<vmem>>, vector<1x16xf32>,
        %swap3A_539 = vector.shape_cast %swap3A_538 : vector<1x16xf32> to vector<16xf32>
        %swap3A_540 = vector.shape_cast %get3A_535 : vector<16xf32> to vector<1x16xf32>
        tpu.vector_store %arg7[%swap3A_536, %swap3A_537], %swap3A_540 {add = true, strides = array<i32>} : memref<800x64xf32, #tpu.memory_space<vmem>>, vector<1x16xf32>,
        %add3A_541 = arith.constant 400 : i32
        %add3A_542 = arith.addi %add3A_541, %add3A_509 : i32
        %get3A_543 = arith.index_cast %add3A_509 : i32 to index
        %get3A_544 = arith.constant 48 : index
        %get3A_545 = tpu.vector_load %arg8[%get3A_543, %get3A_544] {strides = array<i32>} : memref<200x64xf32, #tpu.memory_space<vmem>>, vector<1x16xf32>,
        %get3A_546 = vector.shape_cast %get3A_545 : vector<1x16xf32> to vector<16xf32>
        %swap3A_547 = arith.index_cast %add3A_542 : i32 to index
        %swap3A_548 = arith.constant 48 : index
        %swap3A_549 = tpu.vector_load %arg7[%swap3A_547, %swap3A_548] {strides = array<i32>} : memref<800x64xf32, #tpu.memory_space<vmem>>, vector<1x16xf32>,
        %swap3A_550 = vector.shape_cast %swap3A_549 : vector<1x16xf32> to vector<16xf32>
        %swap3A_551 = vector.shape_cast %get3A_546 : vector<16xf32> to vector<1x16xf32>
        tpu.vector_store %arg7[%swap3A_547, %swap3A_548], %swap3A_551 {add = true, strides = array<i32>} : memref<800x64xf32, #tpu.memory_space<vmem>>, vector<1x16xf32>,
        %mul3A_552 = arith.constant 2 : i32
        %mul3A_553 = arith.muli %scan3A_504, %mul3A_552 : i32
        %add3A_554 = arith.constant 1 : i32
        %add3A_555 = arith.addi %mul3A_553, %add3A_554 : i32
        %add3A_556 = arith.constant 400 : i32
        %add3A_557 = arith.addi %add3A_556, %add3A_555 : i32
        %get3A_558 = arith.index_cast %add3A_555 : i32 to index
        %get3A_559 = arith.constant 0 : index
        %get3A_560 = tpu.vector_load %arg8[%get3A_558, %get3A_559] {strides = array<i32>} : memref<200x64xf32, #tpu.memory_space<vmem>>, vector<1x16xf32>,
        %get3A_561 = vector.shape_cast %get3A_560 : vector<1x16xf32> to vector<16xf32>
        %swap3A_562 = arith.index_cast %add3A_557 : i32 to index
        %swap3A_563 = arith.constant 0 : index
        %swap3A_564 = tpu.vector_load %arg7[%swap3A_562, %swap3A_563] {strides = array<i32>} : memref<800x64xf32, #tpu.memory_space<vmem>>, vector<1x16xf32>,
        %swap3A_565 = vector.shape_cast %swap3A_564 : vector<1x16xf32> to vector<16xf32>
        %swap3A_566 = vector.shape_cast %get3A_561 : vector<16xf32> to vector<1x16xf32>
        tpu.vector_store %arg7[%swap3A_562, %swap3A_563], %swap3A_566 {add = true, strides = array<i32>} : memref<800x64xf32, #tpu.memory_space<vmem>>, vector<1x16xf32>,
        %add3A_567 = arith.constant 400 : i32
        %add3A_568 = arith.addi %add3A_567, %add3A_555 : i32
        %get3A_569 = arith.index_cast %add3A_555 : i32 to index
        %get3A_570 = arith.constant 16 : index
        %get3A_571 = tpu.vector_load %arg8[%get3A_569, %get3A_570] {strides = array<i32>} : memref<200x64xf32, #tpu.memory_space<vmem>>, vector<1x16xf32>,
        %get3A_572 = vector.shape_cast %get3A_571 : vector<1x16xf32> to vector<16xf32>
        %swap3A_573 = arith.index_cast %add3A_568 : i32 to index
        %swap3A_574 = arith.constant 16 : index
        %swap3A_575 = tpu.vector_load %arg7[%swap3A_573, %swap3A_574] {strides = array<i32>} : memref<800x64xf32, #tpu.memory_space<vmem>>, vector<1x16xf32>,
        %swap3A_576 = vector.shape_cast %swap3A_575 : vector<1x16xf32> to vector<16xf32>
        %swap3A_577 = vector.shape_cast %get3A_572 : vector<16xf32> to vector<1x16xf32>
        tpu.vector_store %arg7[%swap3A_573, %swap3A_574], %swap3A_577 {add = true, strides = array<i32>} : memref<800x64xf32, #tpu.memory_space<vmem>>, vector<1x16xf32>,
        %add3A_578 = arith.constant 400 : i32
        %add3A_579 = arith.addi %add3A_578, %add3A_555 : i32
        %get3A_580 = arith.index_cast %add3A_555 : i32 to index
        %get3A_581 = arith.constant 32 : index
        %get3A_582 = tpu.vector_load %arg8[%get3A_580, %get3A_581] {strides = array<i32>} : memref<200x64xf32, #tpu.memory_space<vmem>>, vector<1x16xf32>,
        %get3A_583 = vector.shape_cast %get3A_582 : vector<1x16xf32> to vector<16xf32>
        %swap3A_584 = arith.index_cast %add3A_579 : i32 to index
        %swap3A_585 = arith.constant 32 : index
        %swap3A_586 = tpu.vector_load %arg7[%swap3A_584, %swap3A_585] {strides = array<i32>} : memref<800x64xf32, #tpu.memory_space<vmem>>, vector<1x16xf32>,
        %swap3A_587 = vector.shape_cast %swap3A_586 : vector<1x16xf32> to vector<16xf32>
        %swap3A_588 = vector.shape_cast %get3A_583 : vector<16xf32> to vector<1x16xf32>
        tpu.vector_store %arg7[%swap3A_584, %swap3A_585], %swap3A_588 {add = true, strides = array<i32>} : memref<800x64xf32, #tpu.memory_space<vmem>>, vector<1x16xf32>,
        %add3A_589 = arith.constant 400 : i32
        %add3A_590 = arith.addi %add3A_589, %add3A_555 : i32
        %get3A_591 = arith.index_cast %add3A_555 : i32 to index
        %get3A_592 = arith.constant 48 : index
        %get3A_593 = tpu.vector_load %arg8[%get3A_591, %get3A_592] {strides = array<i32>} : memref<200x64xf32, #tpu.memory_space<vmem>>, vector<1x16xf32>,
        %get3A_594 = vector.shape_cast %get3A_593 : vector<1x16xf32> to vector<16xf32>
        %swap3A_595 = arith.index_cast %add3A_590 : i32 to index
        %swap3A_596 = arith.constant 48 : index
        %swap3A_597 = tpu.vector_load %arg7[%swap3A_595, %swap3A_596] {strides = array<i32>} : memref<800x64xf32, #tpu.memory_space<vmem>>, vector<1x16xf32>,
        %swap3A_598 = vector.shape_cast %swap3A_597 : vector<1x16xf32> to vector<16xf32>
        %swap3A_599 = vector.shape_cast %get3A_594 : vector<16xf32> to vector<1x16xf32>
        tpu.vector_store %arg7[%swap3A_595, %swap3A_596], %swap3A_599 {add = true, strides = array<i32>} : memref<800x64xf32, #tpu.memory_space<vmem>>, vector<1x16xf32>,
        %scan3A_600 = arith.constant 0 : i32
        scf.yield %scan3A_600 : i32
      }
      %scan3A_383 = arith.constant 100 : i32
      %add3A_384 = arith.addi %mul3A_2, %add3A_324 : i32
      %mul3A_385 = arith.constant 200 : i32
      %mul3A_386 = arith.muli %add3A_384, %mul3A_385 : i32
      %dma_start3A_387 = arith.constant 2 : i32
      %dma_start3A_388 = arith.constant 400 : i32
      %dma_start3A_389 = arith.constant 0 : i32
      %dma_start3A_390 = tpu.memref_slice %arg7[%dma_start3A_388, %dma_start3A_389] : memref<800x64xf32, #tpu.memory_space<vmem>> -> memref<200x64xf32, #tpu.memory_space<vmem>>
      %dma_start3A_391 = arith.constant 0 : i32
      %dma_start3A_392 = tpu.memref_slice %arg5[%mul3A_386, %dma_start3A_391] : memref<819200x64xf32, #tpu.memory_space<hbm>> -> memref<200x64xf32, #tpu.memory_space<hbm>>
      %dma_start3A_393 = tpu.memref_slice %arg10[%dma_start3A_387] : memref<4x!tpu.dma_semaphore, #tpu.memory_space<semaphore_mem>> -> memref<1x!tpu.dma_semaphore, #tpu.memory_space<semaphore_mem>>
      %dma_start3A_394 = tpu.memref_squeeze %dma_start3A_393 : memref<1x!tpu.dma_semaphore, #tpu.memory_space<semaphore_mem>> -> memref<!tpu.dma_semaphore, #tpu.memory_space<semaphore_mem>>
      %dma_start3A_395 = arith.constant 0 : i32
      %dma_start3A_396 = tpu.memref_slice %arg5[%mul3A_386, %dma_start3A_395] : memref<819200x64xf32, #tpu.memory_space<hbm>> -> memref<200x64xf32, #tpu.memory_space<hbm>>
      %dma_start3A_397 = arith.constant 400 : i32
      %dma_start3A_398 = arith.constant 0 : i32
      %dma_start3A_399 = tpu.memref_slice %arg7[%dma_start3A_397, %dma_start3A_398] : memref<800x64xf32, #tpu.memory_space<vmem>> -> memref<200x64xf32, #tpu.memory_space<vmem>>
      tpu.enqueue_dma source(%dma_start3A_399 : memref<200x64xf32, #tpu.memory_space<vmem>>) target(%dma_start3A_396 : memref<200x64xf32, #tpu.memory_space<hbm>>) target_semaphore(%dma_start3A_394 : memref<!tpu.dma_semaphore, #tpu.memory_space<semaphore_mem>>)
      %add3A_400 = arith.constant 2 : i32
      %add3A_401 = arith.addi %add3A_324, %add3A_400 : i32
      %ge3A_402 = arith.constant 4 : i32
      %ge3A_403 = arith.cmpi sge, %add3A_401, %ge3A_402 : i32
      %convert_element_type3A_404 = arith.extui %ge3A_403 : i1 to i32
      %cond3A_405 = arith.constant 0 : i32
      %cond3A_406 = arith.cmpi ne, %convert_element_type3A_404, %cond3A_405 : i32
      scf.if %cond3A_406 {
        %dma_wait3A_504 = arith.constant 0 : i32
        %dma_wait3A_505 = arith.constant 0 : i32
        %dma_wait3A_506 = arith.constant 0 : i32
        %dma_wait3A_507 = tpu.memref_slice %arg7[%dma_wait3A_505, %dma_wait3A_506] : memref<800x64xf32, #tpu.memory_space<vmem>> -> memref<200x64xf32, #tpu.memory_space<vmem>>
        %dma_wait3A_508 = arith.constant 0 : i32
        %dma_wait3A_509 = arith.constant 0 : i32
        %dma_wait3A_510 = tpu.memref_slice %arg5[%dma_wait3A_508, %dma_wait3A_509] : memref<819200x64xf32, #tpu.memory_space<hbm>> -> memref<200x64xf32, #tpu.memory_space<hbm>>
        %dma_wait3A_511 = tpu.memref_slice %arg10[%dma_wait3A_504] : memref<4x!tpu.dma_semaphore, #tpu.memory_space<semaphore_mem>> -> memref<1x!tpu.dma_semaphore, #tpu.memory_space<semaphore_mem>>
        %dma_wait3A_512 = tpu.memref_squeeze %dma_wait3A_511 : memref<1x!tpu.dma_semaphore, #tpu.memory_space<semaphore_mem>> -> memref<!tpu.dma_semaphore, #tpu.memory_space<semaphore_mem>>
        %dma_wait3A_513 = arith.constant 0 : i32
        %dma_wait3A_514 = arith.constant 0 : i32
        %dma_wait3A_515 = tpu.memref_slice %arg5[%dma_wait3A_513, %dma_wait3A_514] : memref<819200x64xf32, #tpu.memory_space<hbm>> -> memref<200x64xf32, #tpu.memory_space<hbm>>
        %dma_wait3A_516 = arith.constant 0 : i32
        %dma_wait3A_517 = arith.constant 0 : i32
        %dma_wait3A_518 = tpu.memref_slice %arg7[%dma_wait3A_516, %dma_wait3A_517] : memref<800x64xf32, #tpu.memory_space<vmem>> -> memref<200x64xf32, #tpu.memory_space<vmem>>
        tpu.wait_dma2 semaphore(%dma_wait3A_512 : memref<!tpu.dma_semaphore, #tpu.memory_space<semaphore_mem>>) src(%dma_wait3A_518 : memref<200x64xf32, #tpu.memory_space<vmem>>) dst(%dma_wait3A_515 : memref<200x64xf32, #tpu.memory_space<hbm>>)
      } else {
      }
      %lt3A_407 = arith.constant 128 : i32
      %lt3A_408 = arith.cmpi slt, %add3A_401, %lt3A_407 : i32
      %convert_element_type3A_409 = arith.extui %lt3A_408 : i1 to i32
      %cond3A_410 = arith.constant 0 : i32
      %cond3A_411 = arith.cmpi ne, %convert_element_type3A_409, %cond3A_410 : i32
      scf.if %cond3A_411 {
        %dma_start3A_504 = arith.constant 0 : i32
        %dma_start3A_505 = arith.constant 0 : i32
        %dma_start3A_506 = arith.constant 0 : i32
        %dma_start3A_507 = tpu.memref_slice %arg7[%dma_start3A_505, %dma_start3A_506] : memref<800x64xf32, #tpu.memory_space<vmem>> -> memref<56x64xf32, #tpu.memory_space<vmem>>
        %dma_start3A_508 = arith.constant 0 : i32
        %dma_start3A_509 = tpu.memref_slice %arg6[%add3A_401, %dma_start3A_508] : memref<128x200xi32, #tpu.memory_space<vmem>> -> memref<1x56xi32, #tpu.memory_space<vmem>>
        %dma_start3A_510 = tpu.memref_squeeze %dma_start3A_509 : memref<1x56xi32, #tpu.memory_space<vmem>> -> memref<56xi32, #tpu.memory_space<vmem>>
        %dma_start3A_511 = arith.constant 0 : i32
        %dma_start3A_512 = arith.constant 0 : i32
        %dma_start3A_513 = tpu.memref_slice %arg3[%dma_start3A_511, %dma_start3A_512] : memref<100000x64xf32, #tpu.memory_space<hbm>> -> memref<100000x64xf32, #tpu.memory_space<hbm>>
        %dma_start3A_514 = tpu.memref_slice %arg9[%dma_start3A_504] : memref<4x!tpu.dma_semaphore, #tpu.memory_space<semaphore_mem>> -> memref<1x!tpu.dma_semaphore, #tpu.memory_space<semaphore_mem>>
        %dma_start3A_515 = tpu.memref_squeeze %dma_start3A_514 : memref<1x!tpu.dma_semaphore, #tpu.memory_space<semaphore_mem>> -> memref<!tpu.dma_semaphore, #tpu.memory_space<semaphore_mem>>
        tpu.enqueue_indirect_dma source(%dma_start3A_513 : memref<100000x64xf32, #tpu.memory_space<hbm>>) target(%dma_start3A_507 : memref<56x64xf32, #tpu.memory_space<vmem>>) offsets(%dma_start3A_510 : memref<56xi32, #tpu.memory_space<vmem>>) semaphore(%dma_start3A_515 : memref<!tpu.dma_semaphore, #tpu.memory_space<semaphore_mem>>)
        %dma_start3A_516 = arith.constant 0 : i32
        %dma_start3A_517 = arith.constant 56 : i32
        %dma_start3A_518 = arith.constant 0 : i32
        %dma_start3A_519 = tpu.memref_slice %arg7[%dma_start3A_517, %dma_start3A_518] : memref<800x64xf32, #tpu.memory_space<vmem>> -> memref<48x64xf32, #tpu.memory_space<vmem>>
        %dma_start3A_520 = arith.constant 56 : i32
        %dma_start3A_521 = tpu.memref_slice %arg6[%add3A_401, %dma_start3A_520] : memref<128x200xi32, #tpu.memory_space<vmem>> -> memref<1x48xi32, #tpu.memory_space<vmem>>
        %dma_start3A_522 = tpu.memref_squeeze %dma_start3A_521 : memref<1x48xi32, #tpu.memory_space<vmem>> -> memref<48xi32, #tpu.memory_space<vmem>>
        %dma_start3A_523 = arith.constant 0 : i32
        %dma_start3A_524 = arith.constant 0 : i32
        %dma_start3A_525 = tpu.memref_slice %arg3[%dma_start3A_523, %dma_start3A_524] : memref<100000x64xf32, #tpu.memory_space<hbm>> -> memref<100000x64xf32, #tpu.memory_space<hbm>>
        %dma_start3A_526 = tpu.memref_slice %arg9[%dma_start3A_516] : memref<4x!tpu.dma_semaphore, #tpu.memory_space<semaphore_mem>> -> memref<1x!tpu.dma_semaphore, #tpu.memory_space<semaphore_mem>>
        %dma_start3A_527 = tpu.memref_squeeze %dma_start3A_526 : memref<1x!tpu.dma_semaphore, #tpu.memory_space<semaphore_mem>> -> memref<!tpu.dma_semaphore, #tpu.memory_space<semaphore_mem>>
        tpu.enqueue_indirect_dma source(%dma_start3A_525 : memref<100000x64xf32, #tpu.memory_space<hbm>>) target(%dma_start3A_519 : memref<48x64xf32, #tpu.memory_space<vmem>>) offsets(%dma_start3A_522 : memref<48xi32, #tpu.memory_space<vmem>>) semaphore(%dma_start3A_527 : memref<!tpu.dma_semaphore, #tpu.memory_space<semaphore_mem>>)
        %dma_start3A_528 = arith.constant 0 : i32
        %dma_start3A_529 = arith.constant 104 : i32
        %dma_start3A_530 = arith.constant 0 : i32
        %dma_start3A_531 = tpu.memref_slice %arg7[%dma_start3A_529, %dma_start3A_530] : memref<800x64xf32, #tpu.memory_space<vmem>> -> memref<48x64xf32, #tpu.memory_space<vmem>>
        %dma_start3A_532 = arith.constant 104 : i32
        %dma_start3A_533 = tpu.memref_slice %arg6[%add3A_401, %dma_start3A_532] : memref<128x200xi32, #tpu.memory_space<vmem>> -> memref<1x48xi32, #tpu.memory_space<vmem>>
        %dma_start3A_534 = tpu.memref_squeeze %dma_start3A_533 : memref<1x48xi32, #tpu.memory_space<vmem>> -> memref<48xi32, #tpu.memory_space<vmem>>
        %dma_start3A_535 = arith.constant 0 : i32
        %dma_start3A_536 = arith.constant 0 : i32
        %dma_start3A_537 = tpu.memref_slice %arg3[%dma_start3A_535, %dma_start3A_536] : memref<100000x64xf32, #tpu.memory_space<hbm>> -> memref<100000x64xf32, #tpu.memory_space<hbm>>
        %dma_start3A_538 = tpu.memref_slice %arg9[%dma_start3A_528] : memref<4x!tpu.dma_semaphore, #tpu.memory_space<semaphore_mem>> -> memref<1x!tpu.dma_semaphore, #tpu.memory_space<semaphore_mem>>
        %dma_start3A_539 = tpu.memref_squeeze %dma_start3A_538 : memref<1x!tpu.dma_semaphore, #tpu.memory_space<semaphore_mem>> -> memref<!tpu.dma_semaphore, #tpu.memory_space<semaphore_mem>>
        tpu.enqueue_indirect_dma source(%dma_start3A_537 : memref<100000x64xf32, #tpu.memory_space<hbm>>) target(%dma_start3A_531 : memref<48x64xf32, #tpu.memory_space<vmem>>) offsets(%dma_start3A_534 : memref<48xi32, #tpu.memory_space<vmem>>) semaphore(%dma_start3A_539 : memref<!tpu.dma_semaphore, #tpu.memory_space<semaphore_mem>>)
        %dma_start3A_540 = arith.constant 0 : i32
        %dma_start3A_541 = arith.constant 152 : i32
        %dma_start3A_542 = arith.constant 0 : i32
        %dma_start3A_543 = tpu.memref_slice %arg7[%dma_start3A_541, %dma_start3A_542] : memref<800x64xf32, #tpu.memory_space<vmem>> -> memref<48x64xf32, #tpu.memory_space<vmem>>
        %dma_start3A_544 = arith.constant 152 : i32
        %dma_start3A_545 = tpu.memref_slice %arg6[%add3A_401, %dma_start3A_544] : memref<128x200xi32, #tpu.memory_space<vmem>> -> memref<1x48xi32, #tpu.memory_space<vmem>>
        %dma_start3A_546 = tpu.memref_squeeze %dma_start3A_545 : memref<1x48xi32, #tpu.memory_space<vmem>> -> memref<48xi32, #tpu.memory_space<vmem>>
        %dma_start3A_547 = arith.constant 0 : i32
        %dma_start3A_548 = arith.constant 0 : i32
        %dma_start3A_549 = tpu.memref_slice %arg3[%dma_start3A_547, %dma_start3A_548] : memref<100000x64xf32, #tpu.memory_space<hbm>> -> memref<100000x64xf32, #tpu.memory_space<hbm>>
        %dma_start3A_550 = tpu.memref_slice %arg9[%dma_start3A_540] : memref<4x!tpu.dma_semaphore, #tpu.memory_space<semaphore_mem>> -> memref<1x!tpu.dma_semaphore, #tpu.memory_space<semaphore_mem>>
        %dma_start3A_551 = tpu.memref_squeeze %dma_start3A_550 : memref<1x!tpu.dma_semaphore, #tpu.memory_space<semaphore_mem>> -> memref<!tpu.dma_semaphore, #tpu.memory_space<semaphore_mem>>
        tpu.enqueue_indirect_dma source(%dma_start3A_549 : memref<100000x64xf32, #tpu.memory_space<hbm>>) target(%dma_start3A_543 : memref<48x64xf32, #tpu.memory_space<vmem>>) offsets(%dma_start3A_546 : memref<48xi32, #tpu.memory_space<vmem>>) semaphore(%dma_start3A_551 : memref<!tpu.dma_semaphore, #tpu.memory_space<semaphore_mem>>)
      } else {
      }
      %mul3A_412 = arith.constant 4 : i32
      %mul3A_413 = arith.muli %scan3A_141, %mul3A_412 : i32
      %add3A_414 = arith.constant 3 : i32
      %add3A_415 = arith.addi %mul3A_413, %add3A_414 : i32
      %dma_wait3A_416 = arith.constant 0 : i32
      %dma_wait3A_417 = arith.constant 3 : i32
      %dma_wait3A_418 = arith.constant 600 : i32
      %dma_wait3A_419 = arith.constant 0 : i32
      %dma_wait3A_420 = tpu.memref_slice %arg7[%dma_wait3A_418, %dma_wait3A_419] : memref<800x64xf32, #tpu.memory_space<vmem>> -> memref<56x64xf32, #tpu.memory_space<vmem>>
      %dma_wait3A_421 = arith.constant 0 : i32
      %dma_wait3A_422 = tpu.memref_slice %arg6[%dma_wait3A_416, %dma_wait3A_421] : memref<128x200xi32, #tpu.memory_space<vmem>> -> memref<1x56xi32, #tpu.memory_space<vmem>>
      %dma_wait3A_423 = tpu.memref_squeeze %dma_wait3A_422 : memref<1x56xi32, #tpu.memory_space<vmem>> -> memref<56xi32, #tpu.memory_space<vmem>>
      %dma_wait3A_424 = arith.constant 0 : i32
      %dma_wait3A_425 = arith.constant 0 : i32
      %dma_wait3A_426 = tpu.memref_slice %arg3[%dma_wait3A_424, %dma_wait3A_425] : memref<100000x64xf32, #tpu.memory_space<hbm>> -> memref<100000x64xf32, #tpu.memory_space<hbm>>
      %dma_wait3A_427 = tpu.memref_slice %arg9[%dma_wait3A_417] : memref<4x!tpu.dma_semaphore, #tpu.memory_space<semaphore_mem>> -> memref<1x!tpu.dma_semaphore, #tpu.memory_space<semaphore_mem>>
      %dma_wait3A_428 = tpu.memref_squeeze %dma_wait3A_427 : memref<1x!tpu.dma_semaphore, #tpu.memory_space<semaphore_mem>> -> memref<!tpu.dma_semaphore, #tpu.memory_space<semaphore_mem>>
      tpu.wait_indirect_dma semaphore(%dma_wait3A_428 : memref<!tpu.dma_semaphore, #tpu.memory_space<semaphore_mem>>) src(%dma_wait3A_426 : memref<100000x64xf32, #tpu.memory_space<hbm>>) dst(%dma_wait3A_420 : memref<56x64xf32, #tpu.memory_space<vmem>>)
      %dma_wait3A_429 = arith.constant 0 : i32
      %dma_wait3A_430 = arith.constant 3 : i32
      %dma_wait3A_431 = arith.constant 656 : i32
      %dma_wait3A_432 = arith.constant 0 : i32
      %dma_wait3A_433 = tpu.memref_slice %arg7[%dma_wait3A_431, %dma_wait3A_432] : memref<800x64xf32, #tpu.memory_space<vmem>> -> memref<48x64xf32, #tpu.memory_space<vmem>>
      %dma_wait3A_434 = arith.constant 56 : i32
      %dma_wait3A_435 = tpu.memref_slice %arg6[%dma_wait3A_429, %dma_wait3A_434] : memref<128x200xi32, #tpu.memory_space<vmem>> -> memref<1x48xi32, #tpu.memory_space<vmem>>
      %dma_wait3A_436 = tpu.memref_squeeze %dma_wait3A_435 : memref<1x48xi32, #tpu.memory_space<vmem>> -> memref<48xi32, #tpu.memory_space<vmem>>
      %dma_wait3A_437 = arith.constant 0 : i32
      %dma_wait3A_438 = arith.constant 0 : i32
      %dma_wait3A_439 = tpu.memref_slice %arg3[%dma_wait3A_437, %dma_wait3A_438] : memref<100000x64xf32, #tpu.memory_space<hbm>> -> memref<100000x64xf32, #tpu.memory_space<hbm>>
      %dma_wait3A_440 = tpu.memref_slice %arg9[%dma_wait3A_430] : memref<4x!tpu.dma_semaphore, #tpu.memory_space<semaphore_mem>> -> memref<1x!tpu.dma_semaphore, #tpu.memory_space<semaphore_mem>>
      %dma_wait3A_441 = tpu.memref_squeeze %dma_wait3A_440 : memref<1x!tpu.dma_semaphore, #tpu.memory_space<semaphore_mem>> -> memref<!tpu.dma_semaphore, #tpu.memory_space<semaphore_mem>>
      tpu.wait_indirect_dma semaphore(%dma_wait3A_441 : memref<!tpu.dma_semaphore, #tpu.memory_space<semaphore_mem>>) src(%dma_wait3A_439 : memref<100000x64xf32, #tpu.memory_space<hbm>>) dst(%dma_wait3A_433 : memref<48x64xf32, #tpu.memory_space<vmem>>)
      %dma_wait3A_442 = arith.constant 0 : i32
      %dma_wait3A_443 = arith.constant 3 : i32
      %dma_wait3A_444 = arith.constant 704 : i32
      %dma_wait3A_445 = arith.constant 0 : i32
      %dma_wait3A_446 = tpu.memref_slice %arg7[%dma_wait3A_444, %dma_wait3A_445] : memref<800x64xf32, #tpu.memory_space<vmem>> -> memref<48x64xf32, #tpu.memory_space<vmem>>
      %dma_wait3A_447 = arith.constant 104 : i32
      %dma_wait3A_448 = tpu.memref_slice %arg6[%dma_wait3A_442, %dma_wait3A_447] : memref<128x200xi32, #tpu.memory_space<vmem>> -> memref<1x48xi32, #tpu.memory_space<vmem>>
      %dma_wait3A_449 = tpu.memref_squeeze %dma_wait3A_448 : memref<1x48xi32, #tpu.memory_space<vmem>> -> memref<48xi32, #tpu.memory_space<vmem>>
      %dma_wait3A_450 = arith.constant 0 : i32
      %dma_wait3A_451 = arith.constant 0 : i32
      %dma_wait3A_452 = tpu.memref_slice %arg3[%dma_wait3A_450, %dma_wait3A_451] : memref<100000x64xf32, #tpu.memory_space<hbm>> -> memref<100000x64xf32, #tpu.memory_space<hbm>>
      %dma_wait3A_453 = tpu.memref_slice %arg9[%dma_wait3A_443] : memref<4x!tpu.dma_semaphore, #tpu.memory_space<semaphore_mem>> -> memref<1x!tpu.dma_semaphore, #tpu.memory_space<semaphore_mem>>
      %dma_wait3A_454 = tpu.memref_squeeze %dma_wait3A_453 : memref<1x!tpu.dma_semaphore, #tpu.memory_space<semaphore_mem>> -> memref<!tpu.dma_semaphore, #tpu.memory_space<semaphore_mem>>
      tpu.wait_indirect_dma semaphore(%dma_wait3A_454 : memref<!tpu.dma_semaphore, #tpu.memory_space<semaphore_mem>>) src(%dma_wait3A_452 : memref<100000x64xf32, #tpu.memory_space<hbm>>) dst(%dma_wait3A_446 : memref<48x64xf32, #tpu.memory_space<vmem>>)
      %dma_wait3A_455 = arith.constant 0 : i32
      %dma_wait3A_456 = arith.constant 3 : i32
      %dma_wait3A_457 = arith.constant 752 : i32
      %dma_wait3A_458 = arith.constant 0 : i32
      %dma_wait3A_459 = tpu.memref_slice %arg7[%dma_wait3A_457, %dma_wait3A_458] : memref<800x64xf32, #tpu.memory_space<vmem>> -> memref<48x64xf32, #tpu.memory_space<vmem>>
      %dma_wait3A_460 = arith.constant 152 : i32
      %dma_wait3A_461 = tpu.memref_slice %arg6[%dma_wait3A_455, %dma_wait3A_460] : memref<128x200xi32, #tpu.memory_space<vmem>> -> memref<1x48xi32, #tpu.memory_space<vmem>>
      %dma_wait3A_462 = tpu.memref_squeeze %dma_wait3A_461 : memref<1x48xi32, #tpu.memory_space<vmem>> -> memref<48xi32, #tpu.memory_space<vmem>>
      %dma_wait3A_463 = arith.constant 0 : i32
      %dma_wait3A_464 = arith.constant 0 : i32
      %dma_wait3A_465 = tpu.memref_slice %arg3[%dma_wait3A_463, %dma_wait3A_464] : memref<100000x64xf32, #tpu.memory_space<hbm>> -> memref<100000x64xf32, #tpu.memory_space<hbm>>
      %dma_wait3A_466 = tpu.memref_slice %arg9[%dma_wait3A_456] : memref<4x!tpu.dma_semaphore, #tpu.memory_space<semaphore_mem>> -> memref<1x!tpu.dma_semaphore, #tpu.memory_space<semaphore_mem>>
      %dma_wait3A_467 = tpu.memref_squeeze %dma_wait3A_466 : memref<1x!tpu.dma_semaphore, #tpu.memory_space<semaphore_mem>> -> memref<!tpu.dma_semaphore, #tpu.memory_space<semaphore_mem>>
      tpu.wait_indirect_dma semaphore(%dma_wait3A_467 : memref<!tpu.dma_semaphore, #tpu.memory_space<semaphore_mem>>) src(%dma_wait3A_465 : memref<100000x64xf32, #tpu.memory_space<hbm>>) dst(%dma_wait3A_459 : memref<48x64xf32, #tpu.memory_space<vmem>>)
      %scan3A_468 = arith.constant 0 : i32
      %scan3A_469 = arith.constant 0 : i32
      %scan3A_470 = arith.constant 100 : i32
      %scan3A_471 = arith.addi %scan3A_469, %scan3A_470 : i32
      %scan3A_472 = arith.constant 1 : i32
      %scan3A_473 = scf.for %scan3A_504 = %scan3A_469 to %scan3A_471 step %scan3A_472 iter_args(%scan3A_505 = %scan3A_468) -> (i32)  : i32 {
        %mul3A_506 = arith.constant 2 : i32
        %mul3A_507 = arith.muli %scan3A_504, %mul3A_506 : i32
        %add3A_508 = arith.constant 0 : i32
        %add3A_509 = arith.addi %mul3A_507, %add3A_508 : i32
        %add3A_510 = arith.constant 600 : i32
        %add3A_511 = arith.addi %add3A_510, %add3A_509 : i32
        %get3A = arith.index_cast %add3A_509 : i32 to index
        %get3A_512 = arith.constant 0 : index
        %get3A_513 = tpu.vector_load %arg8[%get3A, %get3A_512] {strides = array<i32>} : memref<200x64xf32, #tpu.memory_space<vmem>>, vector<1x16xf32>,
        %get3A_514 = vector.shape_cast %get3A_513 : vector<1x16xf32> to vector<16xf32>
        %swap3A = arith.index_cast %add3A_511 : i32 to index
        %swap3A_515 = arith.constant 0 : index
        %swap3A_516 = tpu.vector_load %arg7[%swap3A, %swap3A_515] {strides = array<i32>} : memref<800x64xf32, #tpu.memory_space<vmem>>, vector<1x16xf32>,
        %swap3A_517 = vector.shape_cast %swap3A_516 : vector<1x16xf32> to vector<16xf32>
        %swap3A_518 = vector.shape_cast %get3A_514 : vector<16xf32> to vector<1x16xf32>
        tpu.vector_store %arg7[%swap3A, %swap3A_515], %swap3A_518 {add = true, strides = array<i32>} : memref<800x64xf32, #tpu.memory_space<vmem>>, vector<1x16xf32>,
        %add3A_519 = arith.constant 600 : i32
        %add3A_520 = arith.addi %add3A_519, %add3A_509 : i32
        %get3A_521 = arith.index_cast %add3A_509 : i32 to index
        %get3A_522 = arith.constant 16 : index
        %get3A_523 = tpu.vector_load %arg8[%get3A_521, %get3A_522] {strides = array<i32>} : memref<200x64xf32, #tpu.memory_space<vmem>>, vector<1x16xf32>,
        %get3A_524 = vector.shape_cast %get3A_523 : vector<1x16xf32> to vector<16xf32>
        %swap3A_525 = arith.index_cast %add3A_520 : i32 to index
        %swap3A_526 = arith.constant 16 : index
        %swap3A_527 = tpu.vector_load %arg7[%swap3A_525, %swap3A_526] {strides = array<i32>} : memref<800x64xf32, #tpu.memory_space<vmem>>, vector<1x16xf32>,
        %swap3A_528 = vector.shape_cast %swap3A_527 : vector<1x16xf32> to vector<16xf32>
        %swap3A_529 = vector.shape_cast %get3A_524 : vector<16xf32> to vector<1x16xf32>
        tpu.vector_store %arg7[%swap3A_525, %swap3A_526], %swap3A_529 {add = true, strides = array<i32>} : memref<800x64xf32, #tpu.memory_space<vmem>>, vector<1x16xf32>,
        %add3A_530 = arith.constant 600 : i32
        %add3A_531 = arith.addi %add3A_530, %add3A_509 : i32
        %get3A_532 = arith.index_cast %add3A_509 : i32 to index
        %get3A_533 = arith.constant 32 : index
        %get3A_534 = tpu.vector_load %arg8[%get3A_532, %get3A_533] {strides = array<i32>} : memref<200x64xf32, #tpu.memory_space<vmem>>, vector<1x16xf32>,
        %get3A_535 = vector.shape_cast %get3A_534 : vector<1x16xf32> to vector<16xf32>
        %swap3A_536 = arith.index_cast %add3A_531 : i32 to index
        %swap3A_537 = arith.constant 32 : index
        %swap3A_538 = tpu.vector_load %arg7[%swap3A_536, %swap3A_537] {strides = array<i32>} : memref<800x64xf32, #tpu.memory_space<vmem>>, vector<1x16xf32>,
        %swap3A_539 = vector.shape_cast %swap3A_538 : vector<1x16xf32> to vector<16xf32>
        %swap3A_540 = vector.shape_cast %get3A_535 : vector<16xf32> to vector<1x16xf32>
        tpu.vector_store %arg7[%swap3A_536, %swap3A_537], %swap3A_540 {add = true, strides = array<i32>} : memref<800x64xf32, #tpu.memory_space<vmem>>, vector<1x16xf32>,
        %add3A_541 = arith.constant 600 : i32
        %add3A_542 = arith.addi %add3A_541, %add3A_509 : i32
        %get3A_543 = arith.index_cast %add3A_509 : i32 to index
        %get3A_544 = arith.constant 48 : index
        %get3A_545 = tpu.vector_load %arg8[%get3A_543, %get3A_544] {strides = array<i32>} : memref<200x64xf32, #tpu.memory_space<vmem>>, vector<1x16xf32>,
        %get3A_546 = vector.shape_cast %get3A_545 : vector<1x16xf32> to vector<16xf32>
        %swap3A_547 = arith.index_cast %add3A_542 : i32 to index
        %swap3A_548 = arith.constant 48 : index
        %swap3A_549 = tpu.vector_load %arg7[%swap3A_547, %swap3A_548] {strides = array<i32>} : memref<800x64xf32, #tpu.memory_space<vmem>>, vector<1x16xf32>,
        %swap3A_550 = vector.shape_cast %swap3A_549 : vector<1x16xf32> to vector<16xf32>
        %swap3A_551 = vector.shape_cast %get3A_546 : vector<16xf32> to vector<1x16xf32>
        tpu.vector_store %arg7[%swap3A_547, %swap3A_548], %swap3A_551 {add = true, strides = array<i32>} : memref<800x64xf32, #tpu.memory_space<vmem>>, vector<1x16xf32>,
        %mul3A_552 = arith.constant 2 : i32
        %mul3A_553 = arith.muli %scan3A_504, %mul3A_552 : i32
        %add3A_554 = arith.constant 1 : i32
        %add3A_555 = arith.addi %mul3A_553, %add3A_554 : i32
        %add3A_556 = arith.constant 600 : i32
        %add3A_557 = arith.addi %add3A_556, %add3A_555 : i32
        %get3A_558 = arith.index_cast %add3A_555 : i32 to index
        %get3A_559 = arith.constant 0 : index
        %get3A_560 = tpu.vector_load %arg8[%get3A_558, %get3A_559] {strides = array<i32>} : memref<200x64xf32, #tpu.memory_space<vmem>>, vector<1x16xf32>,
        %get3A_561 = vector.shape_cast %get3A_560 : vector<1x16xf32> to vector<16xf32>
        %swap3A_562 = arith.index_cast %add3A_557 : i32 to index
        %swap3A_563 = arith.constant 0 : index
        %swap3A_564 = tpu.vector_load %arg7[%swap3A_562, %swap3A_563] {strides = array<i32>} : memref<800x64xf32, #tpu.memory_space<vmem>>, vector<1x16xf32>,
        %swap3A_565 = vector.shape_cast %swap3A_564 : vector<1x16xf32> to vector<16xf32>
        %swap3A_566 = vector.shape_cast %get3A_561 : vector<16xf32> to vector<1x16xf32>
        tpu.vector_store %arg7[%swap3A_562, %swap3A_563], %swap3A_566 {add = true, strides = array<i32>} : memref<800x64xf32, #tpu.memory_space<vmem>>, vector<1x16xf32>,
        %add3A_567 = arith.constant 600 : i32
        %add3A_568 = arith.addi %add3A_567, %add3A_555 : i32
        %get3A_569 = arith.index_cast %add3A_555 : i32 to index
        %get3A_570 = arith.constant 16 : index
        %get3A_571 = tpu.vector_load %arg8[%get3A_569, %get3A_570] {strides = array<i32>} : memref<200x64xf32, #tpu.memory_space<vmem>>, vector<1x16xf32>,
        %get3A_572 = vector.shape_cast %get3A_571 : vector<1x16xf32> to vector<16xf32>
        %swap3A_573 = arith.index_cast %add3A_568 : i32 to index
        %swap3A_574 = arith.constant 16 : index
        %swap3A_575 = tpu.vector_load %arg7[%swap3A_573, %swap3A_574] {strides = array<i32>} : memref<800x64xf32, #tpu.memory_space<vmem>>, vector<1x16xf32>,
        %swap3A_576 = vector.shape_cast %swap3A_575 : vector<1x16xf32> to vector<16xf32>
        %swap3A_577 = vector.shape_cast %get3A_572 : vector<16xf32> to vector<1x16xf32>
        tpu.vector_store %arg7[%swap3A_573, %swap3A_574], %swap3A_577 {add = true, strides = array<i32>} : memref<800x64xf32, #tpu.memory_space<vmem>>, vector<1x16xf32>,
        %add3A_578 = arith.constant 600 : i32
        %add3A_579 = arith.addi %add3A_578, %add3A_555 : i32
        %get3A_580 = arith.index_cast %add3A_555 : i32 to index
        %get3A_581 = arith.constant 32 : index
        %get3A_582 = tpu.vector_load %arg8[%get3A_580, %get3A_581] {strides = array<i32>} : memref<200x64xf32, #tpu.memory_space<vmem>>, vector<1x16xf32>,
        %get3A_583 = vector.shape_cast %get3A_582 : vector<1x16xf32> to vector<16xf32>
        %swap3A_584 = arith.index_cast %add3A_579 : i32 to index
        %swap3A_585 = arith.constant 32 : index
        %swap3A_586 = tpu.vector_load %arg7[%swap3A_584, %swap3A_585] {strides = array<i32>} : memref<800x64xf32, #tpu.memory_space<vmem>>, vector<1x16xf32>,
        %swap3A_587 = vector.shape_cast %swap3A_586 : vector<1x16xf32> to vector<16xf32>
        %swap3A_588 = vector.shape_cast %get3A_583 : vector<16xf32> to vector<1x16xf32>
        tpu.vector_store %arg7[%swap3A_584, %swap3A_585], %swap3A_588 {add = true, strides = array<i32>} : memref<800x64xf32, #tpu.memory_space<vmem>>, vector<1x16xf32>,
        %add3A_589 = arith.constant 600 : i32
        %add3A_590 = arith.addi %add3A_589, %add3A_555 : i32
        %get3A_591 = arith.index_cast %add3A_555 : i32 to index
        %get3A_592 = arith.constant 48 : index
        %get3A_593 = tpu.vector_load %arg8[%get3A_591, %get3A_592] {strides = array<i32>} : memref<200x64xf32, #tpu.memory_space<vmem>>, vector<1x16xf32>,
        %get3A_594 = vector.shape_cast %get3A_593 : vector<1x16xf32> to vector<16xf32>
        %swap3A_595 = arith.index_cast %add3A_590 : i32 to index
        %swap3A_596 = arith.constant 48 : index
        %swap3A_597 = tpu.vector_load %arg7[%swap3A_595, %swap3A_596] {strides = array<i32>} : memref<800x64xf32, #tpu.memory_space<vmem>>, vector<1x16xf32>,
        %swap3A_598 = vector.shape_cast %swap3A_597 : vector<1x16xf32> to vector<16xf32>
        %swap3A_599 = vector.shape_cast %get3A_594 : vector<16xf32> to vector<1x16xf32>
        tpu.vector_store %arg7[%swap3A_595, %swap3A_596], %swap3A_599 {add = true, strides = array<i32>} : memref<800x64xf32, #tpu.memory_space<vmem>>, vector<1x16xf32>,
        %scan3A_600 = arith.constant 0 : i32
        scf.yield %scan3A_600 : i32
      }
      %scan3A_474 = arith.constant 100 : i32
      %add3A_475 = arith.addi %mul3A_2, %add3A_415 : i32
      %mul3A_476 = arith.constant 200 : i32
      %mul3A_477 = arith.muli %add3A_475, %mul3A_476 : i32
      %dma_start3A_478 = arith.constant 3 : i32
      %dma_start3A_479 = arith.constant 600 : i32
      %dma_start3A_480 = arith.constant 0 : i32
      %dma_start3A_481 = tpu.memref_slice %arg7[%dma_start3A_479, %dma_start3A_480] : memref<800x64xf32, #tpu.memory_space<vmem>> -> memref<200x64xf32, #tpu.memory_space<vmem>>
      %dma_start3A_482 = arith.constant 0 : i32
      %dma_start3A_483 = tpu.memref_slice %arg5[%mul3A_477, %dma_start3A_482] : memref<819200x64xf32, #tpu.memory_space<hbm>> -> memref<200x64xf32, #tpu.memory_space<hbm>>
      %dma_start3A_484 = tpu.memref_slice %arg10[%dma_start3A_478] : memref<4x!tpu.dma_semaphore, #tpu.memory_space<semaphore_mem>> -> memref<1x!tpu.dma_semaphore, #tpu.memory_space<semaphore_mem>>
      %dma_start3A_485 = tpu.memref_squeeze %dma_start3A_484 : memref<1x!tpu.dma_semaphore, #tpu.memory_space<semaphore_mem>> -> memref<!tpu.dma_semaphore, #tpu.memory_space<semaphore_mem>>
      %dma_start3A_486 = arith.constant 0 : i32
      %dma_start3A_487 = tpu.memref_slice %arg5[%mul3A_477, %dma_start3A_486] : memref<819200x64xf32, #tpu.memory_space<hbm>> -> memref<200x64xf32, #tpu.memory_space<hbm>>
      %dma_start3A_488 = arith.constant 600 : i32
      %dma_start3A_489 = arith.constant 0 : i32
      %dma_start3A_490 = tpu.memref_slice %arg7[%dma_start3A_488, %dma_start3A_489] : memref<800x64xf32, #tpu.memory_space<vmem>> -> memref<200x64xf32, #tpu.memory_space<vmem>>
      tpu.enqueue_dma source(%dma_start3A_490 : memref<200x64xf32, #tpu.memory_space<vmem>>) target(%dma_start3A_487 : memref<200x64xf32, #tpu.memory_space<hbm>>) target_semaphore(%dma_start3A_485 : memref<!tpu.dma_semaphore, #tpu.memory_space<semaphore_mem>>)
      %add3A_491 = arith.constant 2 : i32
      %add3A_492 = arith.addi %add3A_415, %add3A_491 : i32
      %ge3A_493 = arith.constant 4 : i32
      %ge3A_494 = arith.cmpi sge, %add3A_492, %ge3A_493 : i32
      %convert_element_type3A_495 = arith.extui %ge3A_494 : i1 to i32
      %cond3A_496 = arith.constant 0 : i32
      %cond3A_497 = arith.cmpi ne, %convert_element_type3A_495, %cond3A_496 : i32
      scf.if %cond3A_497 {
        %dma_wait3A_504 = arith.constant 1 : i32
        %dma_wait3A_505 = arith.constant 200 : i32
        %dma_wait3A_506 = arith.constant 0 : i32
        %dma_wait3A_507 = tpu.memref_slice %arg7[%dma_wait3A_505, %dma_wait3A_506] : memref<800x64xf32, #tpu.memory_space<vmem>> -> memref<200x64xf32, #tpu.memory_space<vmem>>
        %dma_wait3A_508 = arith.constant 0 : i32
        %dma_wait3A_509 = arith.constant 0 : i32
        %dma_wait3A_510 = tpu.memref_slice %arg5[%dma_wait3A_508, %dma_wait3A_509] : memref<819200x64xf32, #tpu.memory_space<hbm>> -> memref<200x64xf32, #tpu.memory_space<hbm>>
        %dma_wait3A_511 = tpu.memref_slice %arg10[%dma_wait3A_504] : memref<4x!tpu.dma_semaphore, #tpu.memory_space<semaphore_mem>> -> memref<1x!tpu.dma_semaphore, #tpu.memory_space<semaphore_mem>>
        %dma_wait3A_512 = tpu.memref_squeeze %dma_wait3A_511 : memref<1x!tpu.dma_semaphore, #tpu.memory_space<semaphore_mem>> -> memref<!tpu.dma_semaphore, #tpu.memory_space<semaphore_mem>>
        %dma_wait3A_513 = arith.constant 0 : i32
        %dma_wait3A_514 = arith.constant 0 : i32
        %dma_wait3A_515 = tpu.memref_slice %arg5[%dma_wait3A_513, %dma_wait3A_514] : memref<819200x64xf32, #tpu.memory_space<hbm>> -> memref<200x64xf32, #tpu.memory_space<hbm>>
        %dma_wait3A_516 = arith.constant 200 : i32
        %dma_wait3A_517 = arith.constant 0 : i32
        %dma_wait3A_518 = tpu.memref_slice %arg7[%dma_wait3A_516, %dma_wait3A_517] : memref<800x64xf32, #tpu.memory_space<vmem>> -> memref<200x64xf32, #tpu.memory_space<vmem>>
        tpu.wait_dma2 semaphore(%dma_wait3A_512 : memref<!tpu.dma_semaphore, #tpu.memory_space<semaphore_mem>>) src(%dma_wait3A_518 : memref<200x64xf32, #tpu.memory_space<vmem>>) dst(%dma_wait3A_515 : memref<200x64xf32, #tpu.memory_space<hbm>>)
      } else {
      }
      %lt3A_498 = arith.constant 128 : i32
      %lt3A_499 = arith.cmpi slt, %add3A_492, %lt3A_498 : i32
      %convert_element_type3A_500 = arith.extui %lt3A_499 : i1 to i32
      %cond3A_501 = arith.constant 0 : i32
      %cond3A_502 = arith.cmpi ne, %convert_element_type3A_500, %cond3A_501 : i32
      scf.if %cond3A_502 {
        %dma_start3A_504 = arith.constant 1 : i32
        %dma_start3A_505 = arith.constant 200 : i32
        %dma_start3A_506 = arith.constant 0 : i32
        %dma_start3A_507 = tpu.memref_slice %arg7[%dma_start3A_505, %dma_start3A_506] : memref<800x64xf32, #tpu.memory_space<vmem>> -> memref<56x64xf32, #tpu.memory_space<vmem>>
        %dma_start3A_508 = arith.constant 0 : i32
        %dma_start3A_509 = tpu.memref_slice %arg6[%add3A_492, %dma_start3A_508] : memref<128x200xi32, #tpu.memory_space<vmem>> -> memref<1x56xi32, #tpu.memory_space<vmem>>
        %dma_start3A_510 = tpu.memref_squeeze %dma_start3A_509 : memref<1x56xi32, #tpu.memory_space<vmem>> -> memref<56xi32, #tpu.memory_space<vmem>>
        %dma_start3A_511 = arith.constant 0 : i32
        %dma_start3A_512 = arith.constant 0 : i32
        %dma_start3A_513 = tpu.memref_slice %arg3[%dma_start3A_511, %dma_start3A_512] : memref<100000x64xf32, #tpu.memory_space<hbm>> -> memref<100000x64xf32, #tpu.memory_space<hbm>>
        %dma_start3A_514 = tpu.memref_slice %arg9[%dma_start3A_504] : memref<4x!tpu.dma_semaphore, #tpu.memory_space<semaphore_mem>> -> memref<1x!tpu.dma_semaphore, #tpu.memory_space<semaphore_mem>>
        %dma_start3A_515 = tpu.memref_squeeze %dma_start3A_514 : memref<1x!tpu.dma_semaphore, #tpu.memory_space<semaphore_mem>> -> memref<!tpu.dma_semaphore, #tpu.memory_space<semaphore_mem>>
        tpu.enqueue_indirect_dma source(%dma_start3A_513 : memref<100000x64xf32, #tpu.memory_space<hbm>>) target(%dma_start3A_507 : memref<56x64xf32, #tpu.memory_space<vmem>>) offsets(%dma_start3A_510 : memref<56xi32, #tpu.memory_space<vmem>>) semaphore(%dma_start3A_515 : memref<!tpu.dma_semaphore, #tpu.memory_space<semaphore_mem>>)
        %dma_start3A_516 = arith.constant 1 : i32
        %dma_start3A_517 = arith.constant 256 : i32
        %dma_start3A_518 = arith.constant 0 : i32
        %dma_start3A_519 = tpu.memref_slice %arg7[%dma_start3A_517, %dma_start3A_518] : memref<800x64xf32, #tpu.memory_space<vmem>> -> memref<48x64xf32, #tpu.memory_space<vmem>>
        %dma_start3A_520 = arith.constant 56 : i32
        %dma_start3A_521 = tpu.memref_slice %arg6[%add3A_492, %dma_start3A_520] : memref<128x200xi32, #tpu.memory_space<vmem>> -> memref<1x48xi32, #tpu.memory_space<vmem>>
        %dma_start3A_522 = tpu.memref_squeeze %dma_start3A_521 : memref<1x48xi32, #tpu.memory_space<vmem>> -> memref<48xi32, #tpu.memory_space<vmem>>
        %dma_start3A_523 = arith.constant 0 : i32
        %dma_start3A_524 = arith.constant 0 : i32
        %dma_start3A_525 = tpu.memref_slice %arg3[%dma_start3A_523, %dma_start3A_524] : memref<100000x64xf32, #tpu.memory_space<hbm>> -> memref<100000x64xf32, #tpu.memory_space<hbm>>
        %dma_start3A_526 = tpu.memref_slice %arg9[%dma_start3A_516] : memref<4x!tpu.dma_semaphore, #tpu.memory_space<semaphore_mem>> -> memref<1x!tpu.dma_semaphore, #tpu.memory_space<semaphore_mem>>
        %dma_start3A_527 = tpu.memref_squeeze %dma_start3A_526 : memref<1x!tpu.dma_semaphore, #tpu.memory_space<semaphore_mem>> -> memref<!tpu.dma_semaphore, #tpu.memory_space<semaphore_mem>>
        tpu.enqueue_indirect_dma source(%dma_start3A_525 : memref<100000x64xf32, #tpu.memory_space<hbm>>) target(%dma_start3A_519 : memref<48x64xf32, #tpu.memory_space<vmem>>) offsets(%dma_start3A_522 : memref<48xi32, #tpu.memory_space<vmem>>) semaphore(%dma_start3A_527 : memref<!tpu.dma_semaphore, #tpu.memory_space<semaphore_mem>>)
        %dma_start3A_528 = arith.constant 1 : i32
        %dma_start3A_529 = arith.constant 304 : i32
        %dma_start3A_530 = arith.constant 0 : i32
        %dma_start3A_531 = tpu.memref_slice %arg7[%dma_start3A_529, %dma_start3A_530] : memref<800x64xf32, #tpu.memory_space<vmem>> -> memref<48x64xf32, #tpu.memory_space<vmem>>
        %dma_start3A_532 = arith.constant 104 : i32
        %dma_start3A_533 = tpu.memref_slice %arg6[%add3A_492, %dma_start3A_532] : memref<128x200xi32, #tpu.memory_space<vmem>> -> memref<1x48xi32, #tpu.memory_space<vmem>>
        %dma_start3A_534 = tpu.memref_squeeze %dma_start3A_533 : memref<1x48xi32, #tpu.memory_space<vmem>> -> memref<48xi32, #tpu.memory_space<vmem>>
        %dma_start3A_535 = arith.constant 0 : i32
        %dma_start3A_536 = arith.constant 0 : i32
        %dma_start3A_537 = tpu.memref_slice %arg3[%dma_start3A_535, %dma_start3A_536] : memref<100000x64xf32, #tpu.memory_space<hbm>> -> memref<100000x64xf32, #tpu.memory_space<hbm>>
        %dma_start3A_538 = tpu.memref_slice %arg9[%dma_start3A_528] : memref<4x!tpu.dma_semaphore, #tpu.memory_space<semaphore_mem>> -> memref<1x!tpu.dma_semaphore, #tpu.memory_space<semaphore_mem>>
        %dma_start3A_539 = tpu.memref_squeeze %dma_start3A_538 : memref<1x!tpu.dma_semaphore, #tpu.memory_space<semaphore_mem>> -> memref<!tpu.dma_semaphore, #tpu.memory_space<semaphore_mem>>
        tpu.enqueue_indirect_dma source(%dma_start3A_537 : memref<100000x64xf32, #tpu.memory_space<hbm>>) target(%dma_start3A_531 : memref<48x64xf32, #tpu.memory_space<vmem>>) offsets(%dma_start3A_534 : memref<48xi32, #tpu.memory_space<vmem>>) semaphore(%dma_start3A_539 : memref<!tpu.dma_semaphore, #tpu.memory_space<semaphore_mem>>)
        %dma_start3A_540 = arith.constant 1 : i32
        %dma_start3A_541 = arith.constant 352 : i32
        %dma_start3A_542 = arith.constant 0 : i32
        %dma_start3A_543 = tpu.memref_slice %arg7[%dma_start3A_541, %dma_start3A_542] : memref<800x64xf32, #tpu.memory_space<vmem>> -> memref<48x64xf32, #tpu.memory_space<vmem>>
        %dma_start3A_544 = arith.constant 152 : i32
        %dma_start3A_545 = tpu.memref_slice %arg6[%add3A_492, %dma_start3A_544] : memref<128x200xi32, #tpu.memory_space<vmem>> -> memref<1x48xi32, #tpu.memory_space<vmem>>
        %dma_start3A_546 = tpu.memref_squeeze %dma_start3A_545 : memref<1x48xi32, #tpu.memory_space<vmem>> -> memref<48xi32, #tpu.memory_space<vmem>>
        %dma_start3A_547 = arith.constant 0 : i32
        %dma_start3A_548 = arith.constant 0 : i32
        %dma_start3A_549 = tpu.memref_slice %arg3[%dma_start3A_547, %dma_start3A_548] : memref<100000x64xf32, #tpu.memory_space<hbm>> -> memref<100000x64xf32, #tpu.memory_space<hbm>>
        %dma_start3A_550 = tpu.memref_slice %arg9[%dma_start3A_540] : memref<4x!tpu.dma_semaphore, #tpu.memory_space<semaphore_mem>> -> memref<1x!tpu.dma_semaphore, #tpu.memory_space<semaphore_mem>>
        %dma_start3A_551 = tpu.memref_squeeze %dma_start3A_550 : memref<1x!tpu.dma_semaphore, #tpu.memory_space<semaphore_mem>> -> memref<!tpu.dma_semaphore, #tpu.memory_space<semaphore_mem>>
        tpu.enqueue_indirect_dma source(%dma_start3A_549 : memref<100000x64xf32, #tpu.memory_space<hbm>>) target(%dma_start3A_543 : memref<48x64xf32, #tpu.memory_space<vmem>>) offsets(%dma_start3A_546 : memref<48xi32, #tpu.memory_space<vmem>>) semaphore(%dma_start3A_551 : memref<!tpu.dma_semaphore, #tpu.memory_space<semaphore_mem>>)
      } else {
      }
      %scan3A_503 = arith.constant 0 : i32
      scf.yield %scan3A_503 : i32
    }
    %scan3A_111 = arith.constant 32 : i32
    %dma_wait3A = arith.constant 2 : i32
    %dma_wait3A_112 = arith.constant 400 : i32
    %dma_wait3A_113 = arith.constant 0 : i32
    %dma_wait3A_114 = tpu.memref_slice %arg7[%dma_wait3A_112, %dma_wait3A_113] : memref<800x64xf32, #tpu.memory_space<vmem>> -> memref<200x64xf32, #tpu.memory_space<vmem>>
    %dma_wait3A_115 = arith.constant 0 : i32
    %dma_wait3A_116 = arith.constant 0 : i32
    %dma_wait3A_117 = tpu.memref_slice %arg5[%dma_wait3A_115, %dma_wait3A_116] : memref<819200x64xf32, #tpu.memory_space<hbm>> -> memref<200x64xf32, #tpu.memory_space<hbm>>
    %dma_wait3A_118 = tpu.memref_slice %arg10[%dma_wait3A] : memref<4x!tpu.dma_semaphore, #tpu.memory_space<semaphore_mem>> -> memref<1x!tpu.dma_semaphore, #tpu.memory_space<semaphore_mem>>
    %dma_wait3A_119 = tpu.memref_squeeze %dma_wait3A_118 : memref<1x!tpu.dma_semaphore, #tpu.memory_space<semaphore_mem>> -> memref<!tpu.dma_semaphore, #tpu.memory_space<semaphore_mem>>
    %dma_wait3A_120 = arith.constant 0 : i32
    %dma_wait3A_121 = arith.constant 0 : i32
    %dma_wait3A_122 = tpu.memref_slice %arg5[%dma_wait3A_120, %dma_wait3A_121] : memref<819200x64xf32, #tpu.memory_space<hbm>> -> memref<200x64xf32, #tpu.memory_space<hbm>>
    %dma_wait3A_123 = arith.constant 400 : i32
    %dma_wait3A_124 = arith.constant 0 : i32
    %dma_wait3A_125 = tpu.memref_slice %arg7[%dma_wait3A_123, %dma_wait3A_124] : memref<800x64xf32, #tpu.memory_space<vmem>> -> memref<200x64xf32, #tpu.memory_space<vmem>>
    tpu.wait_dma2 semaphore(%dma_wait3A_119 : memref<!tpu.dma_semaphore, #tpu.memory_space<semaphore_mem>>) src(%dma_wait3A_125 : memref<200x64xf32, #tpu.memory_space<vmem>>) dst(%dma_wait3A_122 : memref<200x64xf32, #tpu.memory_space<hbm>>)
    %dma_wait3A_126 = arith.constant 3 : i32
    %dma_wait3A_127 = arith.constant 600 : i32
    %dma_wait3A_128 = arith.constant 0 : i32
    %dma_wait3A_129 = tpu.memref_slice %arg7[%dma_wait3A_127, %dma_wait3A_128] : memref<800x64xf32, #tpu.memory_space<vmem>> -> memref<200x64xf32, #tpu.memory_space<vmem>>
    %dma_wait3A_130 = arith.constant 0 : i32
    %dma_wait3A_131 = arith.constant 0 : i32
    %dma_wait3A_132 = tpu.memref_slice %arg5[%dma_wait3A_130, %dma_wait3A_131] : memref<819200x64xf32, #tpu.memory_space<hbm>> -> memref<200x64xf32, #tpu.memory_space<hbm>>
    %dma_wait3A_133 = tpu.memref_slice %arg10[%dma_wait3A_126] : memref<4x!tpu.dma_semaphore, #tpu.memory_space<semaphore_mem>> -> memref<1x!tpu.dma_semaphore, #tpu.memory_space<semaphore_mem>>
    %dma_wait3A_134 = tpu.memref_squeeze %dma_wait3A_133 : memref<1x!tpu.dma_semaphore, #tpu.memory_space<semaphore_mem>> -> memref<!tpu.dma_semaphore, #tpu.memory_space<semaphore_mem>>
    %dma_wait3A_135 = arith.constant 0 : i32
    %dma_wait3A_136 = arith.constant 0 : i32
    %dma_wait3A_137 = tpu.memref_slice %arg5[%dma_wait3A_135, %dma_wait3A_136] : memref<819200x64xf32, #tpu.memory_space<hbm>> -> memref<200x64xf32, #tpu.memory_space<hbm>>
    %dma_wait3A_138 = arith.constant 600 : i32
    %dma_wait3A_139 = arith.constant 0 : i32
    %dma_wait3A_140 = tpu.memref_slice %arg7[%dma_wait3A_138, %dma_wait3A_139] : memref<800x64xf32, #tpu.memory_space<vmem>> -> memref<200x64xf32, #tpu.memory_space<vmem>>
    tpu.wait_dma2 semaphore(%dma_wait3A_134 : memref<!tpu.dma_semaphore, #tpu.memory_space<semaphore_mem>>) src(%dma_wait3A_140 : memref<200x64xf32, #tpu.memory_space<vmem>>) dst(%dma_wait3A_137 : memref<200x64xf32, #tpu.memory_space<hbm>>)
    return
  }
}

</mosaic_0001>

<sc_bundles>
// kernel: _emb.3.cloned.1.call-start
scs
__scs_entry_jumppad:
0x0: {  	(pc) =	sbr.rel $0x88, $3  }
0x1: {  	(tag) =	ssettag $0x0;
	lr =	simm.s32 $0x1  }
0x2: {  	[smem:$0x3F9E] =	sst lr;
	_ =	strace $0xD0000000  }
0x3: {  	_ = 	snop  }
0x4: {  	_ = 	snop  }
0x5: {  	_ = 	snop  }
0x6: {  	_ = 	snop  }
0x7: {  	_ = 	snop  }
__scs_overlays_trampoline_lowered:
0x8: {  	[smem:$0x3FAD] =	sst s0  }
0x9: {  	[smem:$0x3FAE] =	sst s1  }
0xa: {  	[smem:$0x3FAF] =	sst s2  }
0xb: {  	[smem:$0x3FB0] =	sst s3  }
0xc: {  	[smem:$0x3FB1] =	sst s4  }
0xd: {  	[smem:$0x3FB2] =	sst s5  }
0xe: {  	[smem:$0x3FB3] =	sst s6  }
0xf: {  	[smem:$0x3FB4] =	sst s7  }
0x10: {  	[smem:$0x3FB5] =	sst s8  }
0x11: {  	[smem:$0x3FB6] =	sst s9;
	s0 =	simm.s32 @!p0 $0x0  }
0x12: {  	s1 =	sld [smem:$0x3F9C];
	s0 =	simm.s32 @p0 $0x1  }
0x13: {  	[smem:$0x3FB7] =	sst s0;
	s0 =	simm.s32 @!p1 $0x0  }
0x14: {  	s2 =	sld [smem:$0x3F9B];
	s0 =	simm.s32 @p1 $0x1  }
0x15: {  	[smem:$0x3FB8] =	sst s0;
	s0 =	simm.s32 @!p2 $0x0  }
0x16: {  	s3 =	sld [smem:$0x3FDB];
	s0 =	simm.s32 @p2 $0x1  }
0x17: {  	s4 =	simm.s32 $0x1BF5;
	[smem:$0x3FBA] =	sst s0  }
0x18: {  	s0 =	sld [smem:$0x3F9D];
	_ =	swait.ge [sflag:s4], $0x0  }
0x19: {  	s7 =	sld [smem:$0x3F9E]  }
0x1a: {  	s8 =	sadd.s32 $0xFFFFE003, lr  }
0x1b: {  	s9 =	sadd.s32 $0xFFFFFEF7, lr;
	s5 =	simm.s32 $0xFFFFFFFF;
	p2 =	slt.u32 s8, $0xFFFFF086  }
0x1c: {  	p1 =	slt.u32 s9, $0xF7A;
	s5 =	simm.s32 @!p2 $0x0  }
0x1d: {  	s5 =	simm.s32 @p1 $0x1;
	p0 =	seq.s32 s7, s2  }
0x1e: {  	s7 =	smul.u32 @!p0 $0xF7A, s2;
	p2 =	seq.s32 @!p0 s5, $0x0  }
0x1f: {  	s9 =	smul.u32 $0xF7A, s1;
	s8 =	simm.s32 @!p0 $0x1BF5;
	p2 =	por !p2, p0  }
0x20: {  	[sflag:s8] =	ssyncset.s32 @!p0 $0xFFFFF086;
	s6 =	sadd.s32 @!p0 s3, s7;
	s7 =	simm.s32 @!p0 $0x108  }
0x21: {  	s3 =	sadd.s32 s3, s9;
	s6 =	sadd.s32 @!p0 $0x88, s6;
	s7 =	simm.s32 @p2 $0x1082  }
0x22: {  	[simem:s7], [sflag:s8] =	dma.local @!p0 [hbm:s6], $0xF7A  }
0x23: {  	s9 =	sor.u32 $0xD0000000, s2;
	s6 =	simm.s32 $0x108;
	_ =	swait.ge @!p0 [sflag:s8], $0x0  }
0x24: {  	s3 =	sadd.s32 $0x88, s3;
	s6 =	simm.s32 @!p1 $0x1082;
	[sflag:s4] =	ssyncset.s32 $0xFFFFF086  }
0x25: {  	[simem:s6], [sflag:s4] =	dma.local [hbm:s3], $0xF7A  }
0x26: {  	[smem:$0x3F9E] =	sst s1;
	(tag) =	ssettag s2;
	_ =	strace s9  }
0x27: {  	s1 =	sld [smem:$0x3FAE]  }
0x28: {  	s2 =	sld [smem:$0x3FAF]  }
0x29: {  	s4 =	sld [smem:$0x3FB1]  }
0x2a: {  	p0 =	seq.s32 s5, $0x0;
	s5 =	sld [smem:$0x3FB2]  }
0x2b: {  	s6 =	sld [smem:$0x3FB3]  }
0x2c: {  	s7 =	sld [smem:$0x3FB4]  }
0x2d: {  	s3 =	simm.s32 $0x108;
	s8 =	sld [smem:$0x3FB5]  }
0x2e: {  	s3 =	simm.s32 @!p0 $0x1082;
	s9 =	sld [smem:$0x3FB6]  }
0x2f: {  	lr =	sadd.s32 s0, s3;
	s0 =	sld [smem:$0x3FAD]  }
0x30: {  	s3 =	sld [smem:$0x3FB0]  }
0x31: {  	[smem:$0x3FB9] =	sst s10  }
0x32: {  	s10 =	sld [smem:$0x3FB7];
	_ =	sdelay $0x3  }
0x33: {  	p0 =	seq.s32 s10, $0x1;
	s10 =	sld [smem:$0x3FB9];
	_ =	sdelay $0x3  }
0x34: {  	[smem:$0x3FB9] =	sst s10  }
0x35: {  	s10 =	sld [smem:$0x3FB8];
	_ =	sdelay $0x3  }
0x36: {  	p1 =	seq.s32 s10, $0x1;
	s10 =	sld [smem:$0x3FB9];
	_ =	sdelay $0x3  }
0x37: {  	[smem:$0x3FB9] =	sst s10  }
0x38: {  	s10 =	sld [smem:$0x3FBA]  }
0x39: {  	_ = 	snop;
	(pc) =	sbr.ind lr, $3  }
0x3a: {  	_ = 	snop  }
0x3b: {  	_ = 	snop  }
0x3c: {  	p2 =	seq.s32 s10, $0x1;
	s10 =	sld [smem:$0x3FB9]  }
0x3d: {  	_ =	shalt  }
0x3e: {  	_ =	shalt  }
0x3f: {  	_ =	shalt  }
0x40: {  	_ =	shalt  }
0x41: {  	_ =	shalt  }
0x42: {  	_ =	shalt  }
0x43: {  	_ =	shalt  }
0x44: {  	_ =	shalt  }
0x45: {  	_ =	shalt  }
0x46: {  	_ =	shalt  }
0x47: {  	_ =	shalt  }
0x48: {  	_ =	shalt  }
0x49: {  	_ =	shalt  }
0x4a: {  	_ =	shalt  }
0x4b: {  	_ =	shalt  }
0x4c: {  	_ =	shalt  }
0x4d: {  	_ =	shalt  }
0x4e: {  	_ =	shalt  }
0x4f: {  	_ =	shalt  }
0x50: {  	_ =	shalt  }
0x51: {  	_ =	shalt  }
0x52: {  	_ =	shalt  }
0x53: {  	_ =	shalt  }
0x54: {  	_ =	shalt  }
0x55: {  	_ =	shalt  }
0x56: {  	_ =	shalt  }
0x57: {  	_ =	shalt  }
0x58: {  	_ =	shalt  }
0x59: {  	_ =	shalt  }
0x5a: {  	_ =	shalt  }
0x5b: {  	_ =	shalt  }
0x5c: {  	_ =	shalt  }
0x5d: {  	_ =	shalt  }
0x5e: {  	_ =	shalt  }
0x5f: {  	_ =	shalt  }
0x60: {  	_ =	shalt  }
0x61: {  	_ =	shalt  }
0x62: {  	_ =	shalt  }
0x63: {  	_ =	shalt  }
0x64: {  	_ =	shalt  }
0x65: {  	_ =	shalt  }
0x66: {  	_ =	shalt  }
0x67: {  	_ =	shalt  }
0x68: {  	_ =	shalt  }
0x69: {  	_ =	shalt  }
0x6a: {  	_ =	shalt  }
0x6b: {  	_ =	shalt  }
0x6c: {  	_ =	shalt  }
0x6d: {  	_ =	shalt  }
0x6e: {  	_ =	shalt  }
0x6f: {  	_ =	shalt  }
0x70: {  	_ =	shalt  }
0x71: {  	_ =	shalt  }
0x72: {  	_ =	shalt  }
0x73: {  	_ =	shalt  }
0x74: {  	_ =	shalt  }
0x75: {  	_ =	shalt  }
0x76: {  	_ =	shalt  }
0x77: {  	_ =	shalt  }
0x78: {  	_ =	shalt  }
0x79: {  	_ =	shalt  }
0x7a: {  	_ =	shalt  }
0x7b: {  	_ =	shalt  }
0x7c: {  	_ =	shalt  }
0x7d: {  	_ =	shalt  }
0x7e: {  	_ =	shalt  }
0x7f: {  	_ =	shalt  }
0x80: {  	_ =	shalt  }
0x81: {  	_ =	shalt  }
0x82: {  	_ =	shalt  }
0x83: {  	_ =	shalt  }
0x84: {  	_ =	shalt  }
0x85: {  	_ =	shalt  }
0x86: {  	_ =	shalt  }
0x87: {  	_ =	shalt  }
.Lfunc_end0:
.L_simem_size_0:
called_computation.1_lowered:
.L_overlay_start_0:
0x88: {  	s2 =	sld [smem:$0x3FD9]  }
0x89: {  	s3 =	sld [smem:$0x3FFE];
	_ =	sdelay $0x1  }
0x8a: {  	s1 =	srdreg.scid  }
0x8b: {  	s0 =	sand.u32 $0x1, s1  }
0x8c: {  	s17 =	sshll.u32 s0, $0xA;
	s2 =	sadd.s32 s3, s2  }
0x8d: {  	s2 =	sadd.s32 s2, s17  }
0x8e: {  	[smem:$0x3FC5] =	sst s2  }
0x8f: {  	_ = 	snop  }
0x90: {  	s2 =	sld [smem:$0x3FD0];
	(tm) =	ssettm $0x1  }
0x91: {  	s18 =	sld [smem:$0x3FFB];
	_ =	sdelay $0x3  }
0x92: {  	_ =	strace s18  }
0x93: {  	s3 =	sld [smem:$0x3FFC];
	_ =	sdelay $0x3  }
0x94: {  	_ =	strace s3  }
0x95: {  	s3 =	sld [smem:$0x3FFD];
	_ =	sdelay $0x3  }
0x96: {  	_ =	strace s3  }
0x97: {  	_ =	strace $0x8FFFFFFF  }
0x98: {  	s19 =	sld [smem:$0x3FDB];
	_ =	sdelay $0x1  }
0x99: {  	s4 =	simm.s32 $_scs_section_size  }
0x9a: {  	s5 =	simm.s32 $_size__tile_overlayer_lowered;
	s6 =	simm.s32 $_tile_overlayer_lowered  }
0x9b: {  	s22 =	simm.s32 $0x1BFF;
	s21 =	sshll.u32 s6, $0x1;
	s3 =	sadd.s32 s4, s19  }
0x9c: {  	s7 =	simm.s32 $0x0;
	s20 =	sshll.u32 s5, $0x1;
	s5 =	sadd.s32 s21, s3  }
0x9d: {  	[timem:s7], [sflag:s22] =	dma.local [hbm:s5], s20  }
0x9e: {  	_ =	swait.ge [sflag:s22], s20  }
0x9f: {  	s4 =	ssub.s32 $0x0, s20;
	[sflag:s22] =	ssyncset.done $0x0  }
0xa0: {  	[sflag:s22] =	ssyncadd.s32 s4;
	_ =	sdelay $0x1  }
0xa1: {  	s23 =	simm.s32 $0x1B8B  }
0xa2: {  	_ =	swait.ge [sflag:s23], $0x1  }
0xa3: {  	[sflag:s23] =	ssyncset.done $0x0  }
0xa4: {  	s25 =	simm.s32 $0x1B8E;
	s24 =	sld [smem:$0x3FFE];
	[sflag:s23] =	ssyncadd.s32 $0xFFFFFFFF  }
0xa5: {  	s26 =	simm.s32 $execute0_lowered;
	[smem:$0x3FD2] =	sst s25  }
0xa6: {  	s5 =	sshll.u32 s26, $0x1;
	_ =	strace $0x80000046;
	[dreg:$0x1] =	wrdreg $0xFFFFFFFF  }
0xa7: {  	s28 =	simm.s32 $_size_execute0_lowered;
	s3 =	sadd.s32 s3, s5;
	[dreg:$0x0] =	wrdreg $0x0  }
0xa8: {  	s5 =	sshll.u32 s28, $0x1;
	[dreg:$0x2] =	wrdreg s3  }
0xa9: {  	[dreg:$0x3] =	wrdreg s5  }
0xaa: {  	[dreg:$0x4] =	wrdreg $0xC0  }
0xab: {  	_ =	task [dreg:s7], $0x5FFFF  }
0xac: {  	[dreg:$0x1] =	wrdreg $0xFFFFFFFF  }
0xad: {  	[dreg:$0x0] =	wrdreg $0x60  }
0xae: {  	[dreg:$0x2] =	wrdreg s24  }
0xaf: {  	[dreg:$0x3] =	wrdreg s2  }
0xb0: {  	[dreg:$0x4] =	wrdreg $0x9  }
0xb1: {  	_ =	task.clear_ibuf [dreg:s7], $0x5FFFF;
	_ =	strace $0x90000046  }
0xb2: {  	s29 =	simm.s32 $0x9;
	_ =	strace $0x80000048  }
0xb3: {  	_ =	swait.ge [sflag:s29], $0x1  }
0xb4: {  	[sflag:s29] =	ssyncadd.s32 $0xFFFFFFFF  }
0xb5: {  	_ =	strace $0x90000048  }
0xb6: {  	_ =	sfence  }
0xb7: {  	s30 =	sld [smem:$0x0];
	_ =	sdelay $0x2  }
0xb8: {  	s31 =	sshll.u32 s1, $0xD;
	s1 =	sshrl.u32 s1, $0x2  }
0xb9: {  	s3 =	sand.u32 $0x4000, s31;
	s1 =	sadd.s32 s1, s30  }
0xba: {  	s0 =	sor.u32 s3, s0;
	s1 =	sshll.u32 s1, $0x11  }
0xbb: {  	s0 =	sor.u32 s1, s0  }
0xbc: {  	s0 =	sadd.s32 $0x8F2B, s0  }
0xbd: {  	[sflag:s0] =	ssyncadd.remote.s32 $0x1  }
0xbe: {  	_ =	sfence.sel $0xFFFF  }
0xbf: {  	[dreg:$0x0] =	wrdreg $0xFFFFFFFF;
	(pc) =	sbr.abs _section_cstart, $3  }
0xc0: {  	[dreg:$0x1] =	wrdreg $0xFFFFFFFF  }
0xc1: {  	_ =	task.clear_ibuf [dreg:s7], $0x2FFFF;
	_ =	strace $0x9FFFFFFF  }
0xc2: {  	(tm) =	ssettm $0x7FFFFFFF  }
0xc3: {  	_ =	shalt  }
tec
execute0_lowered:
.L_overlay_start_1:
0x0: {  	(tag) =	ssettag $0x1  }
0x1: {  	s0 =	srdreg.scid;
	s1 =	rddreg [dreg:$0x0]  }
0x2: {  	s3 =	stileid.u32;
	s2 =	rddreg [dreg:$0x1]  }
0x3: {  	s11 =	simm.s32 $0x38;
	s12 =	simm.s32 $0x6400;
	s13 =	simm.s32 $0x30  }
0x4: {  	s20 =	simm.s32 $0x9600;
	s22 =	simm.s32 $0xA400;
	s24 =	simm.s32 $0xB000  }
0x5: {  	s28 =	simm.s32 $0x1;
	s29 =	simm.s32 $0xC800;
	s30 =	simm.s32 $0xD600  }
0x6: {  	s31 =	simm.s32 $0xE200;
	s10 =	simm.s32 $0xFA00;
	s14 =	simm.s32 $0x10800  }
0x7: {  	s15 =	simm.s32 $0x11400;
	s16 =	simm.s32 $0x12000;
	s17 =	simm.s32 $0x3  }
0x8: {  	s18 =	simm.s32 $0x5;
	s19 =	simm.s32 $0x4;
	s0 =	sand.u32 $0x1, s0  }
0x9: {  	s21 =	simm.s32 $0x6;
	s4 =	sshll.u32 s3, $0x8;
	s5 =	sshll.u32 s0, $0x7  }
0xa: {  	s8 =	simm.s32 $0x0;
	s0 =	ssub.s32 $0x2, s0;
	s4 =	sor.u32 s5, s4  }
0xb: {  	s3 =	simm.s32 $0x0;
	s7 =	sshrl.u32 s0, $0x1;
	s5 =	smul.u32 $0x19, s4  }
.Ltmp0:
0xc: {  	[smem:$0x7FF] =	sst s3;
	s0 =	ssub.s32 s0, s7;
	(pc) =	sbr.rel .LBB2_1-.Ltmp0, $4  }
0xd: {  	_ =	strace $0x80000047;
	s0 =	smax.u32 s0, $0x1;
	s6 =	sadd.s32 s5, s1  }
0xe: {  	s5 =	sadd.s32 $0x1A000, s1;
	s1 =	sadd.s32 $0x800, s1;
	[dreg:$0x5] =	wrdreg s0  }
0xf: {  	s0 =	simm.s32 $0x2;
	[dreg:$0x3] =	wrdreg s1;
	s26 =	sadd.s32 $0x1000, s6  }
0x10: {  	s1 =	simm.s32 $0xEE00;
	[dreg:$0x4] =	wrdreg s26;
	s26 =	simm.s32 $0xBC00  }
.LBB2_12:
0x11: {  	s6 =	simm.s32 $0x7  }
0x12: {  	_ =	swait.ge [sflag:s6], $0x3200  }
0x13: {  	[sflag:s6] =	ssyncset.done $0x0  }
0x14: {  	s7 =	simm.s32 $0x8;
	[sflag:s6] =	ssyncadd.s32 $0xFFFFCE00  }
0x15: {  	_ =	swait.ge [sflag:s7], $0x3200  }
0x16: {  	s8 =	rddreg [dreg:$0x6]  }
0x17: {  	s25 =	rddreg [dreg:$0x5];
	s8 =	sadd.s32 $0x1, s8  }
0x18: {  	p0 =	sne.s32 s8, s25  }
.Ltmp1:
0x19: {  	_ = 	snop;
	(pc) =	sbr.rel @!p0 .LBB2_13-.Ltmp1, $3  }
0x1a: {  	_ =	sdelay $0x1  }
0x1b: {  	[sflag:s7] =	ssyncset.done $0x0  }
0x1c: {  	[sflag:s7] =	ssyncadd.s32 $0xFFFFCE00  }
.LBB2_1:
0x1d: {  	[dreg:$0x6] =	wrdreg s8  }
0x1e: {  	s6 =	rddreg [dreg:$0x4];
	s7 =	simm.s32 $0x9  }
0x1f: {  	[tilespmem:s3], [sflag:$0x9] =	stream.linear.gather [hbm4b:s6+s3], $0x6400, $0x38;
	[tilespmem:$0x15E00] =	vst v63  }
0x20: {  	_ =	swait.ge [sflag:s7], $0x6400  }
0x21: {  	[sflag:s7] =	ssyncset.done $0x0  }
0x22: {  	s25 =	simm.s32 $0x12C00;
	s23 =	rddreg [dreg:$0x3];
	[sflag:s7] =	ssyncadd.s32 $0xFFFF9C00  }
0x23: {  	[tilespmem:s25], [sflag:$0x9] =	stream.linear.gather [hbm4b:s23+s3], $0x3200, $0x38;
	[tilespmem:$0x15E00] =	vst v63  }
0x24: {  	_ =	swait.ge [sflag:s7], $0x3200  }
0x25: {  	[sflag:s7] =	ssyncset.done $0x0  }
0x26: {  	[sflag:s7] =	ssyncadd.s32 $0xFFFFCE00  }
0x27: {  	[tilespmem:s12], [sflag:$0x1] =	stream.indirect.gather [hbm4b:s5+s11], $0x40, s3, s11, $0xb8;
	[tilespmem:$0x15E00] =	vst v63  }
0x28: {  	s7 =	simm.s32 $0x7200  }
0x29: {  	[tilespmem:s7], [sflag:$0x1] =	stream.indirect.gather [hbm4b:s5+s13], $0x40, s11, s13, $0xb8;
	[tilespmem:$0x15E00] =	vst v63  }
0x2a: {  	s8 =	simm.s32 $0x68;
	s9 =	simm.s32 $0x7E00  }
0x2b: {  	[tilespmem:s9], [sflag:$0x1] =	stream.indirect.gather [hbm4b:s5+s13], $0x40, s8, s13, $0xb8;
	[tilespmem:$0x15E00] =	vst v63  }
0x2c: {  	s23 =	simm.s32 $0x98;
	s25 =	simm.s32 $0x8A00  }
0x2d: {  	[tilespmem:s25], [sflag:$0x1] =	stream.indirect.gather [hbm4b:s5+s13], $0x40, s23, s13, $0xb8;
	[tilespmem:$0x15E00] =	vst v63  }
0x2e: {  	s8 =	simm.s32 $0xC8  }
0x2f: {  	[tilespmem:s20], [sflag:$0x2] =	stream.indirect.gather [hbm4b:s5+s11], $0x40, s8, s11, $0xb8;
	[tilespmem:$0x15E00] =	vst v63  }
0x30: {  	s9 =	simm.s32 $0x100  }
0x31: {  	[tilespmem:s22], [sflag:$0x2] =	stream.indirect.gather [hbm4b:s5+s13], $0x40, s9, s13, $0xb8;
	[tilespmem:$0x15E00] =	vst v63  }
0x32: {  	s23 =	simm.s32 $0x130  }
0x33: {  	[tilespmem:s24], [sflag:$0x2] =	stream.indirect.gather [hbm4b:s5+s13], $0x40, s23, s13, $0xb8;
	[tilespmem:$0x15E00] =	vst v63  }
0x34: {  	s7 =	simm.s32 $0x0;
	s25 =	simm.s32 $0x160  }
0x35: {  	[tilespmem:s26], [sflag:$0x2] =	stream.indirect.gather [hbm4b:s5+s13], $0x40, s25, s13, $0xb8;
	[tilespmem:$0x15E00] =	vst v63  }
.LBB2_2:
0x36: {  	_ =	swait.ge [sflag:s28], $0xE00  }
0x37: {  	[sflag:s28] =	ssyncset.done $0x0  }
0x38: {  	[sflag:s28] =	ssyncadd.s32 $0xFFFFF200  }
0x39: {  	_ =	swait.ge [sflag:s28], $0xC00  }
0x3a: {  	[sflag:s28] =	ssyncset.done $0x0  }
0x3b: {  	[sflag:s28] =	ssyncadd.s32 $0xFFFFF400  }
0x3c: {  	_ =	swait.ge [sflag:s28], $0xC00  }
0x3d: {  	[sflag:s28] =	ssyncset.done $0x0  }
0x3e: {  	[sflag:s28] =	ssyncadd.s32 $0xFFFFF400  }
0x3f: {  	_ =	swait.ge [sflag:s28], $0xC00  }
0x40: {  	[sflag:s28] =	ssyncset.done $0x0  }
0x41: {  	s23 =	simm.s32 $0x0;
	s8 =	simm.s32 $0x200;
	[sflag:s28] =	ssyncadd.s32 $0xFFFFF400  }
.LBB2_3:
0x42: {  	p0 =	sne.s32 s8, $0xC600;
	v0 =	vld [tilespmem:s23+$0x12C70]  }
0x43: {  	v1 =	vld [tilespmem:s23+$0x12C00]  }
0x44: {  	v2 =	vld [tilespmem:s23+$0x12C10]  }
0x45: {  	v3 =	vld [tilespmem:s23+$0x12C20]  }
0x46: {  	v4 =	vld [tilespmem:s23+$0x12C30]  }
0x47: {  	[tilespmem:s23+$0x6470] =	vst.add.f32.msk $0xffff, v0  }
0x48: {  	v0 =	vld [tilespmem:s23+$0x12C40]  }
0x49: {  	v5 =	vld [tilespmem:s23+$0x12C50]  }
0x4a: {  	v6 =	vld [tilespmem:s23+$0x12C60]  }
0x4b: {  	[tilespmem:s23+$0x6400] =	vst.add.f32.msk $0xffff, v1  }
0x4c: {  	[tilespmem:s23+$0x6410] =	vst.add.f32.msk $0xffff, v2  }
.Ltmp2:
0x4d: {  	[tilespmem:s23+$0x6420] =	vst.add.f32.msk $0xffff, v3;
	(pc) =	sbr.rel @p0 .LBB2_3-.Ltmp2, $4  }
0x4e: {  	[tilespmem:s23+$0x6430] =	vst.add.f32.msk $0xffff, v4  }
0x4f: {  	[tilespmem:s23+$0x6440] =	vst.add.f32.msk $0xffff, v0  }
0x50: {  	[tilespmem:s23+$0x6450] =	vst.add.f32.msk $0xffff, v5  }
0x51: {  	[tilespmem:s23+$0x6460] =	vst.add.f32.msk $0xffff, v6;
	s23 =	sshra.s32 s8, $0x2;
	s8 =	sadd.s32 $0x200, s8  }
0x52: {  	v0 =	vld [tilespmem:s23+$0x12C70]  }
0x53: {  	v1 =	vld [tilespmem:s23+$0x12C00]  }
0x54: {  	v2 =	vld [tilespmem:s23+$0x12C10]  }
0x55: {  	v3 =	vld [tilespmem:s23+$0x12C20]  }
0x56: {  	v4 =	vld [tilespmem:s23+$0x12C30]  }
0x57: {  	v63 =	vld [tilespmem:s23+$0x12C40]  }
0x58: {  	v5 =	vld [tilespmem:s23+$0x12C50]  }
0x59: {  	v6 =	vld [tilespmem:s23+$0x12C60]  }
0x5a: {  	[tilespmem:s23+$0x6470] =	vst.add.f32.msk $0xffff, v0  }
0x5b: {  	[tilespmem:s23+$0x6400] =	vst.add.f32.msk $0xffff, v1  }
0x5c: {  	[tilespmem:s23+$0x6410] =	vst.add.f32.msk $0xffff, v2  }
0x5d: {  	s8 =	sshll.u32 s7, $0x2;
	[tilespmem:s23+$0x6420] =	vst.add.f32.msk $0xffff, v3  }
0x5e: {  	s9 =	sadd.s32 s4, s8;
	[tilespmem:s23+$0x6430] =	vst.add.f32.msk $0xffff, v4  }
0x5f: {  	s9 =	smul.u32 $0x640, s9;
	[tilespmem:s23+$0x6440] =	vst.add.f32.msk $0xffff, v63  }
0x60: {  	[tilespmem:s23+$0x6450] =	vst.add.f32.msk $0xffff, v5  }
0x61: {  	p0 =	seq.s32 s7, $0x0;
	s9 =	sadd.s32 s2, s9;
	[tilespmem:s23+$0x6460] =	vst.add.f32.msk $0xffff, v6  }
0x62: {  	[hbm4b:s9+s3] =	stream.linear.scatter [tilespmem:s12], [sflag:$0x5], $0x3200, $0x38;
	[tilespmem:$0x15E00] =	vst v63  }
0x63: {  	s23 =	sor.u32 $0x2, s8;
	s9 =	simm.s32 @!p0 $0x7  }
0x64: {  	s25 =	smul.u32 $0x320, s23;
	_ =	swait.ge @!p0 [sflag:s9], $0x3200  }
0x65: {  	[sflag:s9] =	ssyncset.done @!p0 $0x0  }
0x66: {  	[sflag:s9] =	ssyncadd.s32 @!p0 $0xFFFFCE00;
	s9 =	sshra.s32 s25, $0x2  }
0x67: {  	[tilespmem:s29], [sflag:$0x3] =	stream.indirect.gather [hbm4b:s5+s11], $0x40, s9, s11, $0xb8;
	[tilespmem:$0x15E00] =	vst v63  }
0x68: {  	s25 =	sadd.s32 $0x38, s9  }
0x69: {  	[tilespmem:s30], [sflag:$0x3] =	stream.indirect.gather [hbm4b:s5+s13], $0x40, s25, s13, $0xb8;
	[tilespmem:$0x15E00] =	vst v63  }
0x6a: {  	s6 =	sadd.s32 $0x68, s9  }
0x6b: {  	[tilespmem:s31], [sflag:$0x3] =	stream.indirect.gather [hbm4b:s5+s13], $0x40, s6, s13, $0xb8;
	[tilespmem:$0x15E00] =	vst v63  }
0x6c: {  	s9 =	sadd.s32 $0x98, s9  }
0x6d: {  	[tilespmem:s1], [sflag:$0x3] =	stream.indirect.gather [hbm4b:s5+s13], $0x40, s9, s13, $0xb8;
	[tilespmem:$0x15E00] =	vst v63  }
0x6e: {  	_ =	swait.ge [sflag:s0], $0xE00  }
0x6f: {  	[sflag:s0] =	ssyncset.done $0x0  }
0x70: {  	[sflag:s0] =	ssyncadd.s32 $0xFFFFF200  }
0x71: {  	_ =	swait.ge [sflag:s0], $0xC00  }
0x72: {  	[sflag:s0] =	ssyncset.done $0x0  }
0x73: {  	[sflag:s0] =	ssyncadd.s32 $0xFFFFF400  }
0x74: {  	_ =	swait.ge [sflag:s0], $0xC00  }
0x75: {  	[sflag:s0] =	ssyncset.done $0x0  }
0x76: {  	[sflag:s0] =	ssyncadd.s32 $0xFFFFF400  }
0x77: {  	_ =	swait.ge [sflag:s0], $0xC00  }
0x78: {  	[sflag:s0] =	ssyncset.done $0x0  }
0x79: {  	s25 =	simm.s32 $0x0;
	s9 =	simm.s32 $0x200;
	[sflag:s0] =	ssyncadd.s32 $0xFFFFF400  }
.LBB2_5:
0x7a: {  	p1 =	sne.s32 s9, $0xC600;
	v0 =	vld [tilespmem:s25+$0x12C70]  }
0x7b: {  	v1 =	vld [tilespmem:s25+$0x12C00]  }
0x7c: {  	v2 =	vld [tilespmem:s25+$0x12C10]  }
0x7d: {  	v3 =	vld [tilespmem:s25+$0x12C20]  }
0x7e: {  	v4 =	vld [tilespmem:s25+$0x12C30]  }
0x7f: {  	[tilespmem:s25+$0x9670] =	vst.add.f32.msk $0xffff, v0  }
0x80: {  	v0 =	vld [tilespmem:s25+$0x12C40]  }
0x81: {  	v5 =	vld [tilespmem:s25+$0x12C50]  }
0x82: {  	v6 =	vld [tilespmem:s25+$0x12C60]  }
0x83: {  	[tilespmem:s25+$0x9600] =	vst.add.f32.msk $0xffff, v1  }
0x84: {  	[tilespmem:s25+$0x9610] =	vst.add.f32.msk $0xffff, v2  }
.Ltmp3:
0x85: {  	[tilespmem:s25+$0x9620] =	vst.add.f32.msk $0xffff, v3;
	(pc) =	sbr.rel @p1 .LBB2_5-.Ltmp3, $4  }
0x86: {  	[tilespmem:s25+$0x9630] =	vst.add.f32.msk $0xffff, v4  }
0x87: {  	[tilespmem:s25+$0x9640] =	vst.add.f32.msk $0xffff, v0  }
0x88: {  	[tilespmem:s25+$0x9650] =	vst.add.f32.msk $0xffff, v5  }
0x89: {  	[tilespmem:s25+$0x9660] =	vst.add.f32.msk $0xffff, v6;
	s25 =	sshra.s32 s9, $0x2;
	s9 =	sadd.s32 $0x200, s9  }
0x8a: {  	v0 =	vld [tilespmem:s25+$0x12C70]  }
0x8b: {  	v1 =	vld [tilespmem:s25+$0x12C00]  }
0x8c: {  	v2 =	vld [tilespmem:s25+$0x12C10]  }
0x8d: {  	v3 =	vld [tilespmem:s25+$0x12C20]  }
0x8e: {  	v4 =	vld [tilespmem:s25+$0x12C30]  }
0x8f: {  	v63 =	vld [tilespmem:s25+$0x12C40]  }
0x90: {  	v5 =	vld [tilespmem:s25+$0x12C50]  }
0x91: {  	v6 =	vld [tilespmem:s25+$0x12C60]  }
0x92: {  	[tilespmem:s25+$0x9670] =	vst.add.f32.msk $0xffff, v0  }
0x93: {  	[tilespmem:s25+$0x9600] =	vst.add.f32.msk $0xffff, v1  }
0x94: {  	[tilespmem:s25+$0x9610] =	vst.add.f32.msk $0xffff, v2  }
0x95: {  	s9 =	sadd.s32 s8, s4;
	[tilespmem:s25+$0x9620] =	vst.add.f32.msk $0xffff, v3  }
0x96: {  	s9 =	smul.u32 $0x640, s9;
	[tilespmem:s25+$0x9630] =	vst.add.f32.msk $0xffff, v4  }
0x97: {  	[tilespmem:s25+$0x9640] =	vst.add.f32.msk $0xffff, v63  }
0x98: {  	s9 =	sadd.s32 s2, s9;
	[tilespmem:s25+$0x9650] =	vst.add.f32.msk $0xffff, v5  }
0x99: {  	s9 =	sadd.s32 $0x640, s9;
	[tilespmem:s25+$0x9660] =	vst.add.f32.msk $0xffff, v6  }
0x9a: {  	[hbm4b:s9+s3] =	stream.linear.scatter [tilespmem:s20], [sflag:$0x6], $0x3200, $0x38;
	[tilespmem:$0x15E00] =	vst v63  }
0x9b: {  	s8 =	sor.u32 $0x3, s8;
	s9 =	simm.s32 @!p0 $0x8  }
0x9c: {  	s6 =	smul.u32 $0x320, s8;
	_ =	swait.ge @!p0 [sflag:s9], $0x3200  }
0x9d: {  	[sflag:s9] =	ssyncset.done @!p0 $0x0  }
0x9e: {  	[sflag:s9] =	ssyncadd.s32 @!p0 $0xFFFFCE00;
	s9 =	sshra.s32 s6, $0x2  }
0x9f: {  	[tilespmem:s10], [sflag:$0x4] =	stream.indirect.gather [hbm4b:s5+s11], $0x40, s9, s11, $0xb8;
	[tilespmem:$0x15E00] =	vst v63  }
0xa0: {  	s25 =	sadd.s32 $0x38, s9  }
0xa1: {  	[tilespmem:s14], [sflag:$0x4] =	stream.indirect.gather [hbm4b:s5+s13], $0x40, s25, s13, $0xb8;
	[tilespmem:$0x15E00] =	vst v63  }
0xa2: {  	s6 =	sadd.s32 $0x68, s9  }
0xa3: {  	[tilespmem:s15], [sflag:$0x4] =	stream.indirect.gather [hbm4b:s5+s13], $0x40, s6, s13, $0xb8;
	[tilespmem:$0x15E00] =	vst v63  }
0xa4: {  	s9 =	sadd.s32 $0x98, s9  }
0xa5: {  	[tilespmem:s16], [sflag:$0x4] =	stream.indirect.gather [hbm4b:s5+s13], $0x40, s9, s13, $0xb8;
	[tilespmem:$0x15E00] =	vst v63  }
0xa6: {  	_ =	swait.ge [sflag:s17], $0xE00  }
0xa7: {  	[sflag:s17] =	ssyncset.done $0x0  }
0xa8: {  	[sflag:s17] =	ssyncadd.s32 $0xFFFFF200  }
0xa9: {  	_ =	swait.ge [sflag:s17], $0xC00  }
0xaa: {  	[sflag:s17] =	ssyncset.done $0x0  }
0xab: {  	[sflag:s17] =	ssyncadd.s32 $0xFFFFF400  }
0xac: {  	_ =	swait.ge [sflag:s17], $0xC00  }
0xad: {  	[sflag:s17] =	ssyncset.done $0x0  }
0xae: {  	[sflag:s17] =	ssyncadd.s32 $0xFFFFF400  }
0xaf: {  	_ =	swait.ge [sflag:s17], $0xC00  }
0xb0: {  	[sflag:s17] =	ssyncset.done $0x0  }
0xb1: {  	s25 =	simm.s32 $0x0;
	s9 =	simm.s32 $0x200;
	[sflag:s17] =	ssyncadd.s32 $0xFFFFF400  }
.LBB2_7:
0xb2: {  	p0 =	sne.s32 s9, $0xC600;
	v0 =	vld [tilespmem:s25+$0x12C70]  }
0xb3: {  	v1 =	vld [tilespmem:s25+$0x12C00]  }
0xb4: {  	v2 =	vld [tilespmem:s25+$0x12C10]  }
0xb5: {  	v3 =	vld [tilespmem:s25+$0x12C20]  }
0xb6: {  	v4 =	vld [tilespmem:s25+$0x12C30]  }
0xb7: {  	[tilespmem:s25+$0xC870] =	vst.add.f32.msk $0xffff, v0  }
0xb8: {  	v0 =	vld [tilespmem:s25+$0x12C40]  }
0xb9: {  	v5 =	vld [tilespmem:s25+$0x12C50]  }
0xba: {  	v6 =	vld [tilespmem:s25+$0x12C60]  }
0xbb: {  	[tilespmem:s25+$0xC800] =	vst.add.f32.msk $0xffff, v1  }
0xbc: {  	[tilespmem:s25+$0xC810] =	vst.add.f32.msk $0xffff, v2  }
.Ltmp4:
0xbd: {  	[tilespmem:s25+$0xC820] =	vst.add.f32.msk $0xffff, v3;
	(pc) =	sbr.rel @p0 .LBB2_7-.Ltmp4, $4  }
0xbe: {  	[tilespmem:s25+$0xC830] =	vst.add.f32.msk $0xffff, v4  }
0xbf: {  	[tilespmem:s25+$0xC840] =	vst.add.f32.msk $0xffff, v0  }
0xc0: {  	[tilespmem:s25+$0xC850] =	vst.add.f32.msk $0xffff, v5  }
0xc1: {  	[tilespmem:s25+$0xC860] =	vst.add.f32.msk $0xffff, v6;
	s25 =	sshra.s32 s9, $0x2;
	s9 =	sadd.s32 $0x200, s9  }
0xc2: {  	v0 =	vld [tilespmem:s25+$0x12C70]  }
0xc3: {  	v1 =	vld [tilespmem:s25+$0x12C00]  }
0xc4: {  	v2 =	vld [tilespmem:s25+$0x12C10]  }
0xc5: {  	v3 =	vld [tilespmem:s25+$0x12C20]  }
0xc6: {  	v4 =	vld [tilespmem:s25+$0x12C30]  }
0xc7: {  	v63 =	vld [tilespmem:s25+$0x12C40]  }
0xc8: {  	v5 =	vld [tilespmem:s25+$0x12C50]  }
0xc9: {  	v6 =	vld [tilespmem:s25+$0x12C60]  }
0xca: {  	[tilespmem:s25+$0xC870] =	vst.add.f32.msk $0xffff, v0  }
0xcb: {  	[tilespmem:s25+$0xC800] =	vst.add.f32.msk $0xffff, v1  }
0xcc: {  	[tilespmem:s25+$0xC810] =	vst.add.f32.msk $0xffff, v2  }
0xcd: {  	[tilespmem:s25+$0xC820] =	vst.add.f32.msk $0xffff, v3  }
0xce: {  	s9 =	sadd.s32 s4, s23;
	[tilespmem:s25+$0xC830] =	vst.add.f32.msk $0xffff, v4  }
0xcf: {  	s9 =	smul.u32 $0x640, s9;
	[tilespmem:s25+$0xC840] =	vst.add.f32.msk $0xffff, v63  }
0xd0: {  	[tilespmem:s25+$0xC850] =	vst.add.f32.msk $0xffff, v5  }
0xd1: {  	p0 =	seq.s32 s7, $0x1F;
	s9 =	sadd.s32 s2, s9;
	[tilespmem:s25+$0xC860] =	vst.add.f32.msk $0xffff, v6  }
0xd2: {  	[hbm4b:s9+s3] =	stream.linear.scatter [tilespmem:s29], [sflag:$0x7], $0x3200, $0x38;
	[tilespmem:$0x15E00] =	vst v63  }
0xd3: {  	s9 =	smul.u32 @!p0 $0xC80, s7  }
0xd4: {  	_ =	swait.ge [sflag:s18], $0x3200  }
0xd5: {  	s6 =	simm.s32 @!p0 $0x6400;
	[sflag:s18] =	ssyncset.done $0x0;
	s9 =	sshra.s32 @!p0 s9, $0x2  }
0xd6: {  	s25 =	simm.s32 @!p0 $0x38;
	[sflag:s18] =	ssyncadd.s32 $0xFFFFCE00;
	s23 =	sadd.s32 @!p0 $0x320, s9  }
0xd7: {  	[tilespmem:s6], [sflag:$0x1] =	stream.indirect.gather @!p0 [hbm4b:s5+s25], $0x40, s23, s25, $0xb8;
	[tilespmem:$0x15E00] =	vst v63  }
0xd8: {  	s6 =	sadd.s32 @!p0 $0x358, s9;
	s23 =	simm.s32 @!p0 $0x30;
	s25 =	simm.s32 @!p0 $0x7200  }
0xd9: {  	[tilespmem:s25], [sflag:$0x1] =	stream.indirect.gather @!p0 [hbm4b:s5+s23], $0x40, s6, s23, $0xb8;
	[tilespmem:$0x15E00] =	vst v63  }
0xda: {  	s6 =	sadd.s32 @!p0 $0x388, s9;
	s25 =	simm.s32 @!p0 $0x7E00  }
0xdb: {  	[tilespmem:s25], [sflag:$0x1] =	stream.indirect.gather @!p0 [hbm4b:s5+s23], $0x40, s6, s23, $0xb8;
	[tilespmem:$0x15E00] =	vst v63  }
0xdc: {  	s6 =	sadd.s32 @!p0 $0x3B8, s9;
	s9 =	simm.s32 @!p0 $0x8A00  }
0xdd: {  	[tilespmem:s9], [sflag:$0x1] =	stream.indirect.gather @!p0 [hbm4b:s5+s23], $0x40, s6, s23, $0xb8;
	[tilespmem:$0x15E00] =	vst v63  }
0xde: {  	_ =	swait.ge [sflag:s19], $0xE00  }
0xdf: {  	[sflag:s19] =	ssyncset.done $0x0  }
0xe0: {  	[sflag:s19] =	ssyncadd.s32 $0xFFFFF200  }
0xe1: {  	_ =	swait.ge [sflag:s19], $0xC00  }
0xe2: {  	[sflag:s19] =	ssyncset.done $0x0  }
0xe3: {  	[sflag:s19] =	ssyncadd.s32 $0xFFFFF400  }
0xe4: {  	_ =	swait.ge [sflag:s19], $0xC00  }
0xe5: {  	[sflag:s19] =	ssyncset.done $0x0  }
0xe6: {  	[sflag:s19] =	ssyncadd.s32 $0xFFFFF400  }
0xe7: {  	_ =	swait.ge [sflag:s19], $0xC00  }
0xe8: {  	[sflag:s19] =	ssyncset.done $0x0  }
0xe9: {  	s23 =	simm.s32 $0x0;
	s9 =	simm.s32 $0x200;
	[sflag:s19] =	ssyncadd.s32 $0xFFFFF400  }
.LBB2_9:
0xea: {  	p1 =	sne.s32 s9, $0xC600;
	v0 =	vld [tilespmem:s23+$0x12C70]  }
0xeb: {  	v1 =	vld [tilespmem:s23+$0x12C00]  }
0xec: {  	v2 =	vld [tilespmem:s23+$0x12C10]  }
0xed: {  	v3 =	vld [tilespmem:s23+$0x12C20]  }
0xee: {  	v4 =	vld [tilespmem:s23+$0x12C30]  }
0xef: {  	[tilespmem:s23+$0xFA70] =	vst.add.f32.msk $0xffff, v0  }
0xf0: {  	v0 =	vld [tilespmem:s23+$0x12C40]  }
0xf1: {  	v5 =	vld [tilespmem:s23+$0x12C50]  }
0xf2: {  	v6 =	vld [tilespmem:s23+$0x12C60]  }
0xf3: {  	[tilespmem:s23+$0xFA00] =	vst.add.f32.msk $0xffff, v1  }
0xf4: {  	[tilespmem:s23+$0xFA10] =	vst.add.f32.msk $0xffff, v2  }
.Ltmp5:
0xf5: {  	[tilespmem:s23+$0xFA20] =	vst.add.f32.msk $0xffff, v3;
	(pc) =	sbr.rel @p1 .LBB2_9-.Ltmp5, $4  }
0xf6: {  	[tilespmem:s23+$0xFA30] =	vst.add.f32.msk $0xffff, v4  }
0xf7: {  	[tilespmem:s23+$0xFA40] =	vst.add.f32.msk $0xffff, v0  }
0xf8: {  	[tilespmem:s23+$0xFA50] =	vst.add.f32.msk $0xffff, v5  }
0xf9: {  	[tilespmem:s23+$0xFA60] =	vst.add.f32.msk $0xffff, v6;
	s23 =	sshra.s32 s9, $0x2;
	s9 =	sadd.s32 $0x200, s9  }
0xfa: {  	v0 =	vld [tilespmem:s23+$0x12C70]  }
0xfb: {  	v1 =	vld [tilespmem:s23+$0x12C00]  }
0xfc: {  	v2 =	vld [tilespmem:s23+$0x12C10]  }
0xfd: {  	v3 =	vld [tilespmem:s23+$0x12C20]  }
0xfe: {  	v4 =	vld [tilespmem:s23+$0x12C30]  }
0xff: {  	v63 =	vld [tilespmem:s23+$0x12C40]  }
0x100: {  	v5 =	vld [tilespmem:s23+$0x12C50]  }
0x101: {  	v6 =	vld [tilespmem:s23+$0x12C60]  }
0x102: {  	[tilespmem:s23+$0xFA70] =	vst.add.f32.msk $0xffff, v0  }
0x103: {  	[tilespmem:s23+$0xFA00] =	vst.add.f32.msk $0xffff, v1  }
0x104: {  	[tilespmem:s23+$0xFA10] =	vst.add.f32.msk $0xffff, v2  }
0x105: {  	[tilespmem:s23+$0xFA20] =	vst.add.f32.msk $0xffff, v3  }
0x106: {  	s6 =	sadd.s32 s4, s8;
	[tilespmem:s23+$0xFA30] =	vst.add.f32.msk $0xffff, v4  }
0x107: {  	s6 =	smul.u32 $0x640, s6;
	[tilespmem:s23+$0xFA40] =	vst.add.f32.msk $0xffff, v63  }
0x108: {  	[tilespmem:s23+$0xFA50] =	vst.add.f32.msk $0xffff, v5  }
.Ltmp6:
0x109: {  	s6 =	sadd.s32 s2, s6;
	[tilespmem:s23+$0xFA60] =	vst.add.f32.msk $0xffff, v6;
	(pc) =	sbr.rel @p0 .LBB2_12-.Ltmp6, $4  }
0x10a: {  	[hbm4b:s6+s3] =	stream.linear.scatter [tilespmem:s10], [sflag:$0x8], $0x3200, $0x38;
	[tilespmem:$0x15E00] =	vst v63  }
0x10b: {  	_ =	swait.ge [sflag:s21], $0x3200  }
0x10c: {  	[sflag:s21] =	ssyncset.done $0x0  }
0x10d: {  	[sflag:s21] =	ssyncadd.s32 $0xFFFFCE00  }
0x10e: {  	s6 =	smul.u32 $0xC80, s7;
	_ =	sdelay $0x1  }
0x10f: {  	s6 =	sshra.s32 s6, $0x2  }
0x110: {  	s8 =	sadd.s32 $0x3E8, s6  }
0x111: {  	[tilespmem:s20], [sflag:$0x2] =	stream.indirect.gather [hbm4b:s5+s11], $0x40, s8, s11, $0xb8;
	[tilespmem:$0x15E00] =	vst v63  }
0x112: {  	s23 =	sadd.s32 $0x420, s6  }
0x113: {  	[tilespmem:s22], [sflag:$0x2] =	stream.indirect.gather [hbm4b:s5+s13], $0x40, s23, s13, $0xb8;
	[tilespmem:$0x15E00] =	vst v63  }
.Ltmp7:
0x114: {  	_ = 	snop;
	(pc) =	sbr.rel .LBB2_2-.Ltmp7, $4  }
0x115: {  	s25 =	sadd.s32 $0x450, s6  }
0x116: {  	[tilespmem:s24], [sflag:$0x2] =	stream.indirect.gather [hbm4b:s5+s13], $0x40, s25, s13, $0xb8;
	[tilespmem:$0x15E00] =	vst v63  }
0x117: {  	s7 =	sadd.s32 $0x1, s7;
	s6 =	sadd.s32 $0x480, s6  }
0x118: {  	[tilespmem:s26], [sflag:$0x2] =	stream.indirect.gather [hbm4b:s5+s13], $0x40, s6, s13, $0xb8;
	[tilespmem:$0x15E00] =	vst v63  }
.LBB2_13:
0x119: {  	_ =	sfence.sel $0x180000  }
0x11a: {  	[bflag:$0x0] =	sbarrier.arrive $0xFFFF  }
0x11b: {  	_ =	strace $0x90000047  }
0x11c: {  	s0 =	stileid.u32;
	[bflag:$0x2] =	sbarrier.arrive $0xFFFF  }
0x11d: {  	p0 =	sne.s32 s0, $0x0;
	s0 =	rddreg [dreg:$0x2]  }
0x11e: {  	s0 =	sadd.s32 @!p0 $0x100000, s0  }
0x11f: {  	[sflag:s0] =	ssyncadd.tile.s32 @!p0 $0x1;
	_ =	shalt  }
.Lfunc_end2:
_tile_overlayer_lowered:
.L_overlay_start_2:
0x120: {  	(tag) =	ssettag $0x2  }
0x121: {  	s0 =	rddreg [dreg:$0x0];
	s2 =	stileid.u32  }
0x122: {  	s1 =	rddreg [dreg:$0x1];
	p0 =	sne.s32 s2, $0x0  }
0x123: {  	s3 =	rddreg [dreg:$0x2];
	[bflag:$0x3] =	sbarrier.arrive $0xFFFF;
	s2 =	simm.s32 @!p0 $0x1C09  }
0x124: {  	[timem:s3], [sflag:s2] =	dma.local @!p0 [hbm:s0], s1  }
0x125: {  	s0 =	simm.s32 @!p0 $0x9  }
0x126: {  	_ =	swait.ge @!p0 [sflag:s0], s1  }
0x127: {  	s1 =	ssub.s32 @!p0 $0x0, s1;
	[sflag:s0] =	ssyncset.done @!p0 $0x0  }
0x128: {  	[sflag:s0] =	ssyncadd.s32 @!p0 s1  }
0x129: {  	[bflag:$0x3] =	sbarrier.arrive $0xFFFF  }
0x12a: {  	_ =	shalt  }

// kernel: sparse-core-data-format-call.cloned.1.call-start
scs
called_computation_lowered:
.L_overlay_start_0:
0x0: {  	s2 =	sld [smem:$0x3FD9]  }
0x1: {  	s3 =	sld [smem:$0x3FFE];
	_ =	sdelay $0x1  }
0x2: {  	s1 =	srdreg.scid  }
0x3: {  	s0 =	sand.u32 $0x1, s1  }
0x4: {  	s18 =	sshll.u32 s0, $0xA;
	s2 =	sadd.s32 s3, s2  }
0x5: {  	s2 =	sadd.s32 s2, s18  }
0x6: {  	[smem:$0x3FC5] =	sst s2  }
0x7: {  	_ = 	snop  }
0x8: {  	s2 =	sld [smem:$0x3FD0];
	(tm) =	ssettm $0x1  }
0x9: {  	s19 =	sld [smem:$0x3FFB];
	_ =	sdelay $0x3  }
0xa: {  	_ =	strace s19  }
0xb: {  	s3 =	sld [smem:$0x3FFC];
	_ =	sdelay $0x3  }
0xc: {  	_ =	strace s3  }
0xd: {  	s3 =	sld [smem:$0x3FFD];
	_ =	sdelay $0x3  }
0xe: {  	_ =	strace s3  }
0xf: {  	_ =	strace $0x8FFFFFFF  }
0x10: {  	s20 =	sld [smem:$0x3FDB];
	_ =	sdelay $0x1  }
0x11: {  	s4 =	simm.s32 $_scs_section_size  }
0x12: {  	s5 =	simm.s32 $_size__tile_overlayer_lowered;
	s6 =	simm.s32 $_tile_overlayer_lowered  }
0x13: {  	s23 =	simm.s32 $0x1BFF;
	s22 =	sshll.u32 s6, $0x1;
	s3 =	sadd.s32 s4, s20  }
0x14: {  	s7 =	simm.s32 $0x0;
	s21 =	sshll.u32 s5, $0x1;
	s5 =	sadd.s32 s22, s3  }
0x15: {  	[timem:s7], [sflag:s23] =	dma.local [hbm:s5], s21  }
0x16: {  	_ =	swait.ge [sflag:s23], s21  }
0x17: {  	s4 =	ssub.s32 $0x0, s21;
	[sflag:s23] =	ssyncset.done $0x0  }
0x18: {  	[sflag:s23] =	ssyncadd.s32 s4;
	_ =	sdelay $0x1  }
0x19: {  	s24 =	simm.s32 $0x1B8B  }
0x1a: {  	_ =	swait.ge [sflag:s24], $0x1  }
0x1b: {  	[sflag:s24] =	ssyncset.done $0x0  }
0x1c: {  	s26 =	simm.s32 $0x1B8E;
	s25 =	sld [smem:$0x3FFE];
	[sflag:s24] =	ssyncadd.s32 $0xFFFFFFFF  }
0x1d: {  	s27 =	simm.s32 $execute0_lowered;
	[smem:$0x3FD2] =	sst s26  }
0x1e: {  	s5 =	sshll.u32 s27, $0x1;
	_ =	strace $0x80000049;
	[dreg:$0x1] =	wrdreg $0xFFFFFFFF  }
0x1f: {  	s28 =	simm.s32 $_size_execute0_lowered;
	s3 =	sadd.s32 s3, s5;
	[dreg:$0x0] =	wrdreg $0x0  }
0x20: {  	s5 =	sshll.u32 s28, $0x1;
	[dreg:$0x2] =	wrdreg s3  }
0x21: {  	[dreg:$0x3] =	wrdreg s5  }
0x22: {  	[dreg:$0x4] =	wrdreg $0xC0  }
0x23: {  	_ =	task [dreg:s7], $0x5FFFF  }
0x24: {  	[dreg:$0x1] =	wrdreg $0xFFFFFFFF  }
0x25: {  	[dreg:$0x0] =	wrdreg $0x60  }
0x26: {  	[dreg:$0x2] =	wrdreg s25  }
0x27: {  	[dreg:$0x3] =	wrdreg s2  }
0x28: {  	[dreg:$0x4] =	wrdreg $0x9  }
0x29: {  	_ =	task.clear_ibuf [dreg:s7], $0x5FFFF;
	_ =	strace $0x90000049  }
0x2a: {  	s29 =	simm.s32 $0x9;
	_ =	strace $0x8000004B  }
0x2b: {  	_ =	swait.ge [sflag:s29], $0x1  }
0x2c: {  	[sflag:s29] =	ssyncadd.s32 $0xFFFFFFFF  }
0x2d: {  	_ =	strace $0x9000004B  }
0x2e: {  	_ =	sfence  }
0x2f: {  	s30 =	sld [smem:$0x0];
	_ =	sdelay $0x2  }
0x30: {  	s31 =	sshll.u32 s1, $0xD;
	s1 =	sshrl.u32 s1, $0x2  }
0x31: {  	s3 =	sand.u32 $0x4000, s31;
	s1 =	sadd.s32 s1, s30  }
0x32: {  	s0 =	sor.u32 s3, s0;
	s1 =	sshll.u32 s1, $0x11  }
0x33: {  	s0 =	sor.u32 s1, s0  }
0x34: {  	s0 =	sadd.s32 $0x8F2B, s0  }
0x35: {  	[sflag:s0] =	ssyncadd.remote.s32 $0x1  }
0x36: {  	_ =	sfence.sel $0xFFFF  }
0x37: {  	[dreg:$0x0] =	wrdreg $0xFFFFFFFF;
	(pc) =	sbr.abs _section_cstart, $3  }
0x38: {  	[dreg:$0x1] =	wrdreg $0xFFFFFFFF  }
0x39: {  	_ =	task.clear_ibuf [dreg:s7], $0x2FFFF;
	_ =	strace $0x9FFFFFFF  }
0x3a: {  	(tm) =	ssettm $0x7FFFFFFF  }
0x3b: {  	_ =	shalt  }
tec
execute0_lowered:
.L_overlay_start_1:
0x0: {  	(tag) =	ssettag $0x1  }
0x1: {  	s0 =	srdreg.scid  }
0x2: {  	s1 =	sshll.u32 s0, $0x4  }
0x3: {  	s4 =	rddreg [dreg:$0x0];
	s0 =	stileid.u32;
	s1 =	sand.u32 $0x10, s1  }
0x4: {  	s2 =	rddreg [dreg:$0x1];
	s7 =	simm.s32 $0x1;
	s1 =	sor.u32 s0, s1  }
0x5: {  	s8 =	simm.s32 $0x2;
	s11 =	simm.s32 $0x0;
	s3 =	sshll.u32 s1, $0x7  }
0x6: {  	s10 =	simm.s32 $0x0;
	s4 =	sadd.s32 $0x800, s4;
	s6 =	ssub.s32 $0xC8000, s3  }
.Ltmp0:
0x7: {  	s1 =	rddreg [dreg:$0x2];
	s5 =	sand.u32 $0xF80, s6;
	(pc) =	sbr.rel .LBB1_1-.Ltmp0, $4  }
0x8: {  	_ =	strace $0x8000004A;
	s9 =	smov.u32 s3;
	p0 =	sne.s32 s5, $0x0  }
0x9: {  	s6 =	sshrl.u32 s6, $0xC;
	s5 =	simm.s32 $0x1;
	s7 =	simm.s32 @!p0 $0x0  }
0xa: {  	[sflag:s5] =	ssyncpa.u1 $0x0;
	p0 =	por $0x0, $0x0;
	s6 =	sadd.s32 s7, s6  }
0xb: {  	[sflag:s8] =	ssyncpa.u1 $0x0;
	s8 =	simm.s32 $0x640000;
	s7 =	sadd.s32 $0x1, s6  }
.LBB1_4:
0xc: {  	s14 =	sshll.u32 s11, $0x3  }
0xd: {  	s30 =	sand.u32 $0x7F, s11;
	s15 =	sand.u32 $0xFFFFFC00, s14  }
0xe: {  	s11 =	sor.u32 s30, s15  }
0xf: {  	s15 =	smulhi.u32 $0x51EB851F, s11  }
0x10: {  	s14 =	smulhi.u32 $0x51EB851F, s14  }
0x11: {  	s15 =	sshrl.u32 s15, $0x12  }
0x12: {  	s14 =	sshrl.u32 s14, $0x12;
	s15 =	smul.u32 $0xC8000, s15  }
0x13: {  	s14 =	sand.u32 $0x3F, s14  }
0x14: {  	s14 =	smul.u32 $0x19000, s14;
	s11 =	ssub.s32 s11, s15  }
0x15: {  	[tilespmem:s13+$0x810 ss:$0x81] =	vst.msk $0xffff, v2;
	s15 =	sand.u32 $0x7, s11  }
0x16: {  	[tilespmem:s13+$0x1020 ss:$0x81] =	vst.msk $0xffff, v0;
	s14 =	sadd.s32 s2, s14;
	s11 =	sshrl.u32 s11, $0x3;
	s15 =	sshll.u32 s15, $0x12  }
0x17: {  	[tilespmem:s13+$0x0 ss:$0x81] =	vst.msk $0xffff, v1;
	s11 =	sadd.s32 s11, s14;
	s31 =	sor.u32 $0x400, s15  }
0x18: {  	[hbm4b:s11+s31] =	stream.strided.scatter [tilespmem:s12], [sflag:$0x2], $0x2000, s8, s31, $0x20;
	[tilespmem:$0x8080] =	vst v63  }
.LBB1_5:
0x19: {  	s13 =	sadd.s32 $0x1000, s9  }
0x1a: {  	p2 =	sgt.s32 s13, $0xC7FFF  }
0x1b: {  	s13 =	smov.u32 @p2 s3;
	p2 =	sne.s32 s10, s7  }
.Ltmp1:
0x1c: {  	p1 =	slt.u32 s10, $0x2;
	(pc) =	sbr.rel @!p2 .LBB1_6-.Ltmp1, $4  }
0x1d: {  	s12 =	simm.s32 @!p1 $0x2  }
0x1e: {  	s14 =	sadd.s32 $0x1, s10;
	_ =	swait.ge @!p1 [sflag:s12], $0x2000  }
0x1f: {  	s11 =	smov.u32 s9;
	p0 =	por !p0, !p0;
	[sflag:s12] =	ssyncset.done @!p1 $0x0  }
0x20: {  	s10 =	smov.u32 s14;
	s9 =	smov.u32 s13;
	[sflag:s12] =	ssyncadd.s32 @!p1 $0xFFFFE000  }
.LBB1_1:
0x21: {  	p1 =	sge.u32 s10, s6  }
0x22: {  	s12 =	sand.u32 @!p1 $0x1FFFFFF, s9  }
0x23: {  	s13 =	smulhi.u32 @!p1 $0x147AE15, s12;
	_ =	sdelay $0x1  }
0x24: {  	s13 =	sshrl.u32 @!p1 s13, $0xC  }
0x25: {  	s13 =	smul.u32 @!p1 $0xC8000, s13;
	_ =	sdelay $0x1  }
0x26: {  	s31 =	sadd.s32 $0xFFFFFFFF, s10;
	s14 =	sxor.u32 @!p1 $0xFFFFFFFF, s10;
	s12 =	ssub.s32 @!p1 s12, s13  }
0x27: {  	s15 =	simm.s32 @!p1 $0x80;
	s14 =	sshll.u32 @!p1 s14, $0xD;
	s12 =	sshll.u32 @!p1 s12, $0x4  }
0x28: {  	s13 =	sand.u32 @!p1 $0x2000, s14;
	s14 =	simm.s32 @!p1 $0x40;
	s12 =	sadd.s32 @!p1 s4, s12  }
0x29: {  	[tilespmem:s13], [sflag:$0x1] =	stream.strided.gather @!p1 [hbm4b:s12+s14], $0x2000, s15, s14, $0x38;
	[tilespmem:$0x8080] =	vst v63  }
0x2a: {  	p1 =	sge.u32 s31, s6  }
.Ltmp2:
0x2b: {  	_ = 	snop;
	(pc) =	sbr.rel @p1 .LBB1_5-.Ltmp2, $1  }
0x2c: {  	_ =	sdelay $0x3  }
0x2d: {  	s12 =	simm.s32 $0x1  }
0x2e: {  	_ =	swait.ge [sflag:s5], $0x2000;
	s12 =	simm.s32 @!p0 $0x0  }
0x2f: {  	[sflag:s5] =	ssyncset.done $0x0;
	s13 =	sshll.u32 s12, $0xD  }
0x30: {  	[sflag:s5] =	ssyncadd.s32 $0xFFFFE000;
	s16 =	sor.u32 $0x20, s13  }
0x31: {  	s12 =	smul.u32 $0x8100, s12;
	v3 =	vld [tilespmem:s16+$0x10]  }
0x32: {  	s30 =	sand.u32 $0x1, s10;
	v2 =	vld [tilespmem:s16+$0xFFFFFFF0]  }
0x33: {  	s13 =	smul.u32 $0x8100, s30;
	s12 =	sshrl.u32 s12, $0x2;
	v0 =	vld [tilespmem:s16+$0x0]  }
0x34: {  	v1 =	vld [tilespmem:s16+$0xFFFFFFE0];
	s14 =	sor.u32 $0x4000, s12  }
0x35: {  	s31 =	sshrl.u32 s13, $0x2;
	s13 =	sadd.s32 $0x0, s14  }
0x36: {  	s15 =	simm.s32 $0x4;
	s16 =	sadd.s32 $0x40, s16;
	s12 =	sor.u32 $0x4000, s31;
	[tilespmem:s13+$0x1830 ss:$0x81] =	vst.msk $0xffff, v3  }
.LBB1_3:
0x37: {  	v3 =	vld [tilespmem:s16+$0x10];
	p1 =	sne.s32 s15, $0x1FC;
	[tilespmem:s13+$0x810 ss:$0x81] =	vst.msk $0xffff, v2;
	s17 =	smov.u32 s15;
	s15 =	sadd.s32 $0x4, s15  }
.Ltmp3:
0x38: {  	v2 =	vld [tilespmem:s16+$0xFFFFFFF0];
	[tilespmem:s13+$0x1020 ss:$0x81] =	vst.msk $0xffff, v0;
	(pc) =	sbr.rel @p1 .LBB1_3-.Ltmp3, $4  }
0x39: {  	v0 =	vld [tilespmem:s16+$0x0];
	[tilespmem:s13+$0x0 ss:$0x81] =	vst.msk $0xffff, v1  }
0x3a: {  	s13 =	sshra.s32 s17, $0x2;
	v1 =	vld [tilespmem:s16+$0xFFFFFFE0]  }
0x3b: {  	s13 =	sadd.s32 s13, s14  }
0x3c: {  	s16 =	sadd.s32 $0x40, s16;
	[tilespmem:s13+$0x1830 ss:$0x81] =	vst.msk $0xffff, v3  }
.Ltmp4:
0x3d: {  	_ = 	snop;
	(pc) =	sbr.rel .LBB1_4-.Ltmp4, $1  }
0x3e: {  	_ =	sdelay $0x3  }
.LBB1_6:
0x3f: {  	_ =	sfence.sel $0x180000  }
0x40: {  	s2 =	simm.s32 $0x1;
	[bflag:$0x0] =	sbarrier.arrive $0xFFFF  }
0x41: {  	s31 =	simm.s32 $0x2;
	[sflag:s2] =	ssyncpa.u1 $0x1  }
0x42: {  	[sflag:s31] =	ssyncpa.u1 $0x1  }
0x43: {  	p0 =	sne.s32 s0, $0x0;
	_ =	strace $0x9000004A  }
0x44: {  	s0 =	sadd.s32 @!p0 $0x100000, s1;
	[bflag:$0x2] =	sbarrier.arrive $0xFFFF  }
0x45: {  	[sflag:s0] =	ssyncadd.tile.s32 @!p0 $0x1;
	_ =	shalt  }
.Lfunc_end1:
_tile_overlayer_lowered:
.L_overlay_start_2:
0x46: {  	(tag) =	ssettag $0x2  }
0x47: {  	s0 =	rddreg [dreg:$0x0];
	s2 =	stileid.u32  }
0x48: {  	s1 =	rddreg [dreg:$0x1];
	p0 =	sne.s32 s2, $0x0  }
0x49: {  	s3 =	rddreg [dreg:$0x2];
	[bflag:$0x3] =	sbarrier.arrive $0xFFFF;
	s2 =	simm.s32 @!p0 $0x1C01  }
0x4a: {  	[timem:s3], [sflag:s2] =	dma.local @!p0 [hbm:s0], s1  }
0x4b: {  	s0 =	simm.s32 @!p0 $0x1  }
0x4c: {  	_ =	swait.ge @!p0 [sflag:s0], s1  }
0x4d: {  	s1 =	ssub.s32 @!p0 $0x0, s1;
	[sflag:s0] =	ssyncset.done @!p0 $0x0  }
0x4e: {  	[sflag:s0] =	ssyncadd.s32 @!p0 s1  }
0x4f: {  	[bflag:$0x3] =	sbarrier.arrive $0xFFFF  }
0x50: {  	_ =	shalt  }

</sc_bundles>
